<compile_context>
chip_gen: v7x
topology: tpu7x:2x2x1
jax: 0.10.2.dev20260603
libtpu: 0.0.44.dev20260713+nightly
codegen_flags: <defaults>
</compile_context>

<pallas_src>
import jax
import jax.numpy as jnp
from jax import lax
from jax.experimental import pallas as pl
from jax.experimental.pallas import tpu as pltpu
from jax.experimental.pallas import tpu_sc as plsc

N = 10000
D = 128
DE = 16
E = 320000

NC, NS = 2, 16
NW = NC * NS
NCH = 80
EPAD = NW * NCH * 128
CPT = (EPAD // 128) // NS
AGG = 10112
ROWS_PER_TILE = AGG // NS

_mesh = plsc.VectorSubcoreMesh(core_axis_name="c", subcore_axis_name="s")



NBUF = 5


def _gather_body(x_hbm, src2d_hbm, gx_hbm, idx_v, b0, b1, b2, b3, b4, gsem, wsem):
    bufs = (b0, b1, b2, b3, b4)
    c = lax.axis_index("c")
    s = lax.axis_index("s")
    wid = s * NC + c
    row0 = wid * NCH
    pltpu.sync_copy(src2d_hbm.at[pl.ds(row0, NCH)], idx_v)
    for b in range(NBUF):
        pltpu.async_copy(x_hbm.at[idx_v.at[b]], bufs[b], gsem.at[b])

    def outer(k, carry):
        for b in range(NBUF):
            j = k * NBUF + b
            pltpu.make_async_copy(x_hbm.at[pl.ds(0, 128)],
                                  bufs[b], gsem.at[b]).wait()
            pltpu.async_copy(bufs[b],
                             gx_hbm.at[pl.ds((row0 + j) * 128, 128)], wsem.at[b])
            pltpu.make_async_copy(bufs[b],
                                  gx_hbm.at[pl.ds(0, 128)], wsem.at[b]).wait()

            @pl.when(j + NBUF < NCH)
            def _next():
                pltpu.async_copy(x_hbm.at[idx_v.at[j + NBUF]],
                                 bufs[b], gsem.at[b])
        return carry

    lax.fori_loop(0, NCH // NBUF, outer, 0)


@jax.jit
def _sc_gather(x, src2d):
    return pl.kernel(
        _gather_body,
        out_type=jax.ShapeDtypeStruct((EPAD, D), jnp.float32),
        mesh=_mesh,
        scratch_types=[
            pltpu.VMEM((NCH, 128), jnp.int32),
            pltpu.VMEM((128, D), jnp.float32),
            pltpu.VMEM((128, D), jnp.float32),
            pltpu.VMEM((128, D), jnp.float32),
            pltpu.VMEM((128, D), jnp.float32),
            pltpu.VMEM((128, D), jnp.float32),
            pltpu.SemaphoreType.DMA((NBUF,)),
            pltpu.SemaphoreType.DMA((NBUF,)),
        ],
    )(x, src2d)



SSEG = 80


def _scatter_body(msg_hbm, dst2d_hbm, zeros_hbm, out_hbm, idx_v, m0, m1, acc,
                  lsem):
    mbufs = (m0, m1)
    c = lax.axis_index("c")
    s = lax.axis_index("s")
    row0 = s * CPT

    @pl.when(s == 0)
    def _zero():
        pltpu.sync_copy(zeros_hbm, acc)

    plsc.subcore_barrier()
    for seg in range(CPT // SSEG):
        base = row0 + seg * SSEG
        pltpu.sync_copy(dst2d_hbm.at[pl.ds(base, SSEG)], idx_v)
        pltpu.async_copy(msg_hbm.at[c, pl.ds(base * 128, 128)], m0, lsem.at[0])

        def body(k, carry, base=base):
            for b in range(2):
                j = k * 2 + b
                pltpu.make_async_copy(msg_hbm.at[c, pl.ds(0, 128)],
                                      mbufs[b], lsem.at[b]).wait()

                @pl.when(j + 1 < SSEG)
                def _next():
                    pltpu.async_copy(msg_hbm.at[c, pl.ds((base + j + 1) * 128, 128)],
                                     mbufs[1 - b], lsem.at[1 - b])

                pltpu.sync_copy(mbufs[b], acc.at[idx_v.at[j]], add=True)
            return carry

        lax.fori_loop(0, SSEG // 2, body, 0)
    plsc.subcore_barrier()
    pltpu.sync_copy(acc.at[pl.ds(s * ROWS_PER_TILE, ROWS_PER_TILE)],
                    out_hbm.at[c, pl.ds(s * ROWS_PER_TILE, ROWS_PER_TILE)])


@jax.jit
def _sc_scatter(msg, dst2d, zeros):
    return pl.kernel(
        _scatter_body,
        out_type=jax.ShapeDtypeStruct((NC, AGG, 128), jnp.float32),
        mesh=_mesh,
        scratch_types=[
            pltpu.VMEM((SSEG, 128), jnp.int32),
            pltpu.VMEM((128, 128), jnp.float32),
            pltpu.VMEM((128, 128), jnp.float32),
            pltpu.VMEM_SHARED((AGG, 128), jnp.float32),
            pltpu.SemaphoreType.DMA((2,)),
        ],
    )(msg, dst2d, zeros)



EB = 4096


def _edge_mlp_body(gx_ref, ea_ref, ew_ref, ebias_ref, out_ref):
    gxt = gx_ref[...]
    ea = ea_ref[...]
    for c in range(NC):
        e = jnp.dot(ea, ew_ref[c], preferred_element_type=jnp.float32)
        out_ref[c] = jnp.maximum(gxt + e + ebias_ref[c], 0.0)


@jax.jit
def _tc_edge(gx, ea_p, ew, ebias):
    return pl.pallas_call(
        _edge_mlp_body,
        grid=(EPAD // EB,),
        in_specs=[
            pl.BlockSpec((EB, D), lambda i: (i, 0)),
            pl.BlockSpec((EB, DE), lambda i: (i, 0)),
            pl.BlockSpec((NC, DE, D), lambda i: (0, 0, 0)),
            pl.BlockSpec((NC, 1, D), lambda i: (0, 0, 0)),
        ],
        out_specs=pl.BlockSpec((NC, EB, D), lambda i: (0, i, 0)),
        out_shape=jax.ShapeDtypeStruct((NC, EPAD, D), jnp.float32),
    )(gx, ea_p, ew, ebias)



RB = 2000
NSTEP = N // RB


def _affine_gelu(h, st, cs, gb):
    m = st[0:1, :] * (1.0 / N)
    v = cs[0:1, :] * (1.0 / N)
    scale = gb[0:1, :] * lax.rsqrt(v + 1e-5)
    h = h * scale + (gb[1:2, :] - m * scale)
    return h * 0.5 * (1.0 + lax.erf(h * 0.7071067811865476))


def _csq_body(h_ref, st_ref, cs_ref):
    i = pl.program_id(0)
    m = st_ref[0:1, :] * (1.0 / N)
    d = h_ref[...] - m
    val = jnp.concatenate([jnp.sum(d * d, 0, keepdims=True),
                           jnp.zeros((7, d.shape[1]), jnp.float32)], 0)

    @pl.when(i == 0)
    def _init():
        cs_ref[...] = val

    @pl.when(i > 0)
    def _acc():
        cs_ref[...] = cs_ref[...] + val


@jax.jit
def _tc_csq(h, st):
    return pl.pallas_call(
        _csq_body,
        grid=(NSTEP,),
        in_specs=[pl.BlockSpec((RB, 64), lambda i: (i, 0)),
                  pl.BlockSpec((8, 64), lambda i: (0, 0))],
        out_specs=pl.BlockSpec((8, 64), lambda i: (0, 0)),
        out_shape=jax.ShapeDtypeStruct((8, 64), jnp.float32),
    )(h, st)


def _accum_stats(i, st_ref, h):
    s = jnp.sum(h, 0, keepdims=True)
    sq = jnp.sum(h * h, 0, keepdims=True)
    val = jnp.concatenate([s, sq, jnp.zeros((6, h.shape[1]), jnp.float32)], 0)

    @pl.when(i == 0)
    def _init():
        st_ref[...] = val

    @pl.when(i > 0)
    def _acc():
        st_ref[...] = st_ref[...] + val


def _k1_body(x_ref, agg_ref, l1a_ref, l1v_ref, esc_ref, b1_ref, h1_ref, st_ref):
    i = pl.program_id(0)
    x = x_ref[...]
    ha = jnp.dot(x * esc_ref[0, 0] + agg_ref[0],
                 l1a_ref[...], preferred_element_type=jnp.float32)
    hv = jnp.dot(x * esc_ref[0, 1] + agg_ref[1],
                 l1v_ref[...], preferred_element_type=jnp.float32)
    h = jnp.concatenate([ha, hv], axis=1) + b1_ref[...]
    h1_ref[...] = h
    _accum_stats(i, st_ref, h)


def _k2_body(h1_ref, st1_ref, cs1_ref, l2_ref, gb1_ref, b2_ref, h2_ref, st_ref):
    i = pl.program_id(0)
    g = _affine_gelu(h1_ref[...], st1_ref[...], cs1_ref[...], gb1_ref[...])
    h = jnp.dot(g, l2_ref[...], preferred_element_type=jnp.float32) + b2_ref[...]
    h2_ref[...] = h
    _accum_stats(i, st_ref, h)


def _k3_body(h2_ref, st2_ref, cs2_ref, gb2_ref, obd_ref, obc_ref, w4_ref, b4_ref,
             out_ref):
    g = _affine_gelu(h2_ref[...], st2_ref[...], cs2_ref[...], gb2_ref[...])
    ho = jnp.dot(g, obd_ref[...], preferred_element_type=jnp.float32) + obc_ref[...]
    r = jnp.dot(ho, w4_ref[...], preferred_element_type=jnp.float32) + b4_ref[...]
    lane = lax.broadcasted_iota(jnp.int32, r.shape, 1)
    lp_tot = jnp.zeros((RB, 1), jnp.float32)
    ent_tot = jnp.zeros((RB, 1), jnp.float32)
    ams = []
    for lo, hi in ((0, 36), (36, 46), (46, 54)):
        msk = (lane >= lo) & (lane < hi)
        lm = jnp.where(msk, r, -3e38)
        mx = jnp.max(lm, 1, keepdims=True)
        ex = jnp.where(msk, jnp.exp(r - mx), 0.0)
        s = jnp.sum(ex, 1, keepdims=True)
        lse = jnp.log(s) + mx
        am = jnp.min(jnp.where(lm == mx, lane, 10 ** 9), 1, keepdims=True)
        ams.append((am - lo).astype(jnp.float32))
        lp_tot = lp_tot + (mx - lse)
        ent_tot = ent_tot - jnp.sum(ex * (r - lse), 1, keepdims=True) / s
    val = r[:, 64:65]
    out_ref[...] = jnp.concatenate(
        ams + [lp_tot, ent_tot, val, jnp.zeros((RB, 2), jnp.float32)], axis=1)


def _full(a):
    nd = a.ndim
    return pl.BlockSpec(a.shape, lambda i, _n=nd: (0,) * _n)


@jax.jit
def _tc_node1(x, aggr, l1a, l1v, esc, b1c):
    return pl.pallas_call(
        _k1_body,
        grid=(NSTEP,),
        in_specs=[pl.BlockSpec((RB, D), lambda i: (i, 0)),
                  pl.BlockSpec((NC, RB, D), lambda i: (0, i, 0)),
                  _full(l1a), _full(l1v), _full(esc), _full(b1c)],
        out_specs=[pl.BlockSpec((RB, 64), lambda i: (i, 0)),
                   pl.BlockSpec((8, 64), lambda i: (0, 0))],
        out_shape=[jax.ShapeDtypeStruct((N, 64), jnp.float32),
                   jax.ShapeDtypeStruct((8, 64), jnp.float32)],
    )(x, aggr, l1a, l1v, esc, b1c)


@jax.jit
def _tc_node2(h1, st1, cs1, l2bd, gb1, b2c):
    return pl.pallas_call(
        _k2_body,
        grid=(NSTEP,),
        in_specs=[pl.BlockSpec((RB, 64), lambda i: (i, 0)),
                  pl.BlockSpec((8, 64), lambda i: (0, 0)),
                  pl.BlockSpec((8, 64), lambda i: (0, 0)),
                  _full(l2bd), _full(gb1), _full(b2c)],
        out_specs=[pl.BlockSpec((RB, 64), lambda i: (i, 0)),
                   pl.BlockSpec((8, 64), lambda i: (0, 0))],
        out_shape=[jax.ShapeDtypeStruct((N, 64), jnp.float32),
                   jax.ShapeDtypeStruct((8, 64), jnp.float32)],
    )(h1, st1, cs1, l2bd, gb1, b2c)


@jax.jit
def _tc_node3(h2, st2, cs2, gb2, obd, obc, w4, b4):
    return pl.pallas_call(
        _k3_body,
        grid=(NSTEP,),
        in_specs=[pl.BlockSpec((RB, 64), lambda i: (i, 0)),
                  pl.BlockSpec((8, 64), lambda i: (0, 0)),
                  pl.BlockSpec((8, 64), lambda i: (0, 0)),
                  _full(gb2), _full(obd), _full(obc), _full(w4), _full(b4)],
        out_specs=pl.BlockSpec((RB, 8), lambda i: (i, 0)),
        out_shape=jax.ShapeDtypeStruct((N, 8), jnp.float32),
    )(h2, st2, cs2, gb2, obd, obc, w4, b4)



def kernel(x, edge_index, edge_attr, batch, mask, params):
    src = edge_index[0].astype(jnp.int32)
    dst = edge_index[1].astype(jnp.int32)
    pad = EPAD - E
    src2d = jnp.concatenate([src, jnp.zeros((pad,), jnp.int32)]).reshape(-1, 128)
    dst2d = jnp.concatenate([dst, jnp.full((pad,), N, jnp.int32)]).reshape(-1, 128)
    ea_p = jnp.concatenate([edge_attr, jnp.zeros((pad, DE), jnp.float32)])

    pa, pv = params["actor_latent"], params["value_latent"]
    gx = _sc_gather(x, src2d)
    ew = jnp.stack([pa["edge_w"].T, pv["edge_w"].T])
    ebias = jnp.stack([pa["edge_b"][None, :], pv["edge_b"][None, :]])
    msg = _tc_edge(gx, ea_p, ew, ebias)
    zeros = jnp.zeros((AGG, 128), jnp.float32)
    aggr = _sc_scatter(msg, dst2d, zeros)

    cat = lambda a, b: jnp.concatenate([a, b])
    esc = jnp.stack([1.0 + pa["eps"], 1.0 + pv["eps"]]).reshape(1, 2)
    b1c = cat(pa["l1_b"], pv["l1_b"])[None, :]
    l2bd = jnp.zeros((64, 64), jnp.float32)
    l2bd = l2bd.at[0:32, 0:32].set(pa["l2_w"].T).at[32:64, 32:64].set(pv["l2_w"].T)
    gb1 = jnp.stack([cat(pa["bn_nn_g"], pv["bn_nn_g"]),
                     cat(pa["bn_nn_b"], pv["bn_nn_b"])])
    b2c = cat(pa["l2_b"], pv["l2_b"])[None, :]
    gb2 = jnp.stack([cat(pa["bn1_g"], pv["bn1_g"]),
                     cat(pa["bn1_b"], pv["bn1_b"])])
    obd = jnp.zeros((64, 128), jnp.float32)
    obd = obd.at[0:32, 0:64].set(pa["out_w"].T).at[32:64, 64:128].set(pv["out_w"].T)
    obc = cat(pa["out_b"], pv["out_b"])[None, :]
    aw, ab = params["actor_w"], params["actor_b"]
    w4 = jnp.zeros((128, 72), jnp.float32)
    w4 = w4.at[0:64, 0:54].set(aw.T)
    w4 = w4.at[64:128, 64:65].set(params["critic_w"].T)
    b4 = jnp.zeros((1, 72), jnp.float32)
    b4 = b4.at[0, 0:54].set(ab)
    b4 = b4.at[0, 64].set(params["critic_b"][0])

    h1, st1 = _tc_node1(x, aggr, pa["l1_w"].T, pv["l1_w"].T, esc, b1c)
    cs1 = _tc_csq(h1, st1)
    h2, st2 = _tc_node2(h1, st1, cs1, l2bd, gb1, b2c)
    cs2 = _tc_csq(h2, st2)
    out8 = _tc_node3(h2, st2, cs2, gb2, obd, obc, w4, b4)

    action_t = out8[:, 0:3].astype(jnp.int32)
    n_envs, mx = mask.shape
    pad_actions = jnp.where(mask[..., None], action_t.reshape(n_envs, mx, 3), 0)
    pad_lp = jnp.where(mask, out8[:, 3].reshape(n_envs, mx), 0.0)
    entropy = out8[:, 4]
    pad_v = jnp.where(mask, out8[:, 5].reshape(n_envs, mx), 0.0)
    return (pad_actions, pad_lp, entropy, pad_v)

# --- scband reference (transcript-rebuilt; emitter-appended) ---
"""Pipeline reference for scband-gnnagent-74663711474035 (READ-ONLY COPY).

The authoritative reference and input builder live on the scoring server;
editing this copy changes nothing except your own understanding.
"""

import jax, jax.numpy as jnp
import numpy as np

N_NODES = 10000
N_EDGES = 320000
D_FEAT = 128
D_EDGE = 16
N_ENVS = 16
NODES_PER_ENV = 625
NVEC = (36, 10, 8)


def _lin(key, out_f, in_f):
    kw, _ = jax.random.split(key)
    w = jax.random.normal(kw, (out_f, in_f), jnp.float32) / np.sqrt(in_f)
    b = jnp.zeros((out_f,), jnp.float32)
    return w, b


def _mk_latent(key):
    ks = jax.random.split(key, 4)
    l1_w, l1_b = _lin(ks[0], 32, D_FEAT)
    l2_w, l2_b = _lin(ks[1], 32, 32)
    e_w, e_b = _lin(ks[2], D_FEAT, D_EDGE)
    out_w, out_b = _lin(ks[3], 64, 32)
    return {"l1_w": l1_w, "l1_b": l1_b,
            "bn_nn_g": jnp.ones(32, jnp.float32), "bn_nn_b": jnp.zeros(32, jnp.float32),
            "l2_w": l2_w, "l2_b": l2_b,
            "edge_w": e_w, "edge_b": e_b,
            "eps": jnp.zeros((), jnp.float32),
            "bn1_g": jnp.ones(32, jnp.float32), "bn1_b": jnp.zeros(32, jnp.float32),
            "out_w": out_w, "out_b": out_b}


def setup_inputs(seed: int = 0):
    key = jax.random.key(seed)
    k = jax.random.split(key, 8)
    x = jax.random.normal(k[0], (N_NODES, D_FEAT), jnp.float32)
    edge_index = jax.random.randint(k[1], (2, N_EDGES), 0, N_NODES)
    edge_attr = jax.random.normal(k[2], (N_EDGES, D_EDGE), jnp.float32)
    # batch assigns an equal number of (sorted) nodes to each env so the
    # original per-env boolean-mask padding is exactly a reshape.
    batch = jnp.repeat(jnp.arange(N_ENVS), NODES_PER_ENV)
    mask = jnp.ones((N_ENVS, NODES_PER_ENV), dtype=bool)
    params = {"actor_latent": _mk_latent(k[3]), "value_latent": _mk_latent(k[4])}
    aw, ab = _lin(k[5], sum(NVEC), 64)
    params["actor_w"] = aw; params["actor_b"] = ab
    cw, cb = _lin(k[6], 1, 64)
    params["critic_w"] = cw; params["critic_b"] = cb
    return {"x": x, "edge_index": edge_index, "edge_attr": edge_attr,
            "batch": batch, "mask": mask, "params": params}


def _bn(h, g, b):
    # BatchNorm1d in training mode: biased batch statistics, eps=1e-5
    m = h.mean(0)
    v = h.var(0)
    return (h - m) / jnp.sqrt(v + 1e-5) * g + b


def _latent(p, x, edge_index, edge_attr):
    # GINEConv(train_eps=True, edge_dim=D_EDGE) followed by bn1/gelu/linear
    src = edge_index[0]
    dst = edge_index[1]
    e = edge_attr @ p["edge_w"].T + p["edge_b"]            # project edges to node dim
    msg = jax.nn.relu(x[src] + e)                            # GINE message
    aggr = jax.ops.segment_sum(msg, dst, num_segments=x.shape[0])  # scatter-add
    h = (1.0 + p["eps"]) * x + aggr
    h = h @ p["l1_w"].T + p["l1_b"]
    h = _bn(h, p["bn_nn_g"], p["bn_nn_b"])
    h = jax.nn.gelu(h, approximate=False)
    h = h @ p["l2_w"].T + p["l2_b"]
    h = _bn(h, p["bn1_g"], p["bn1_b"])
    h = jax.nn.gelu(h, approximate=False)
    return h @ p["out_w"].T + p["out_b"]


def reference(x, edge_index, edge_attr, batch, mask, params):
    # get_action_and_value with action=None, use_mode=True (deterministic mode)
    hidden = _latent(params["actor_latent"], x, edge_index, edge_attr)
    logits = hidden @ params["actor_w"].T + params["actor_b"]
    hdg, alt, spd = jnp.split(logits, [NVEC[0], NVEC[0] + NVEC[1]], axis=-1)
    lps = [jax.nn.log_softmax(l, axis=-1) for l in (hdg, alt, spd)]
    acts = [jnp.argmax(l, axis=-1) for l in (hdg, alt, spd)]
    action = jnp.stack(acts)                                   # [3, N]
    log_prob = sum(jnp.take_along_axis(lp, a[:, None], axis=1)[:, 0]
                   for lp, a in zip(lps, acts))
    entropy = sum(-(jnp.exp(lp) * lp).sum(-1) for lp in lps)
    vh = _latent(params["value_latent"], x, edge_index, edge_attr)
    values = (vh @ params["critic_w"].T + params["critic_b"])[:, 0]
    n_envs, mx = mask.shape
    # batch is sorted with equal counts per env and mask is all-True, so the
    # original per-env masked scatter padding reduces to a reshape.
    pad_actions = jnp.where(mask[..., None], action.T.reshape(n_envs, mx, 3), 0)
    pad_lp = jnp.where(mask, log_prob.reshape(n_envs, mx), 0.0)
    pad_v = jnp.where(mask, values.reshape(n_envs, mx), 0.0)
    return (pad_actions, pad_lp, entropy, pad_v)

if __name__ == "__main__":
    import jax
    _d = setup_inputs()
    print(jax.jit(kernel)(*tuple(_d.values())))

</pallas_src>

<mosaic_0001>
#map = affine_map<(d0, d1) -> (0, 0)>
module attributes {stable_mosaic.version = 14 : i64} {
  func.func @_gather_body(%arg0: i32, %arg1: i32, %arg2: memref<10000x128xf32, #tpu.memory_space<hbm>>, %arg3: memref<2560x128xi32, #tpu.memory_space<hbm>>, %arg4: memref<327680x128xf32, #tpu.memory_space<hbm>>, %arg5: memref<80x128xi32, #tpu.memory_space<vmem>>, %arg6: memref<128x128xf32, #tpu.memory_space<vmem>>, %arg7: memref<128x128xf32, #tpu.memory_space<vmem>>, %arg8: memref<128x128xf32, #tpu.memory_space<vmem>>, %arg9: memref<128x128xf32, #tpu.memory_space<vmem>>, %arg10: memref<128x128xf32, #tpu.memory_space<vmem>>, %arg11: memref<5x!tpu.dma_semaphore, #tpu.memory_space<semaphore_mem>>, %arg12: memref<5x!tpu.dma_semaphore, #tpu.memory_space<semaphore_mem>>) attributes {dimension_semantics = [#tpu.dimension_semantics<core_parallel>, #tpu.dimension_semantics<subcore_parallel>], iteration_bounds = array<i64: 2, 16>, scalar_prefetch = 0 : i64, scratch_operands = 8 : i64, tpu.core_type = #tpu.core_type<sc_vector_subcore>, window_params = [{transform_indices = #map}, {transform_indices = #map}, {transform_indices = #map}]} {
    %mul3A = arith.constant 2 : i32
    %mul3A_0 = arith.muli %arg1, %mul3A : i32
    %add3A = arith.addi %mul3A_0, %arg0 : i32
    %mul3A_1 = arith.constant 80 : i32
    %mul3A_2 = arith.muli %add3A, %mul3A_1 : i32
    "tpu.region"() ({
      %run_scoped3A = tpu.sem_alloc : memref<!tpu.dma_semaphore, #tpu.memory_space<semaphore_mem>>
      %dma_start3A_57 = arith.constant 0 : i32
      %dma_start3A_58 = tpu.memref_slice %arg3[%mul3A_2, %dma_start3A_57] : memref<2560x128xi32, #tpu.memory_space<hbm>> -> memref<80x128xi32, #tpu.memory_space<hbm>>
      %dma_start3A_59 = arith.constant 0 : i32
      %dma_start3A_60 = tpu.memref_slice %arg3[%mul3A_2, %dma_start3A_59] : memref<2560x128xi32, #tpu.memory_space<hbm>> -> memref<80x128xi32, #tpu.memory_space<hbm>>
      tpu.enqueue_dma source(%dma_start3A_60 : memref<80x128xi32, #tpu.memory_space<hbm>>) target(%arg5 : memref<80x128xi32, #tpu.memory_space<vmem>>) target_semaphore(%run_scoped3A : memref<!tpu.dma_semaphore, #tpu.memory_space<semaphore_mem>>)
      %dma_wait3A = arith.constant 0 : i32
      %dma_wait3A_61 = tpu.memref_slice %arg3[%mul3A_2, %dma_wait3A] : memref<2560x128xi32, #tpu.memory_space<hbm>> -> memref<80x128xi32, #tpu.memory_space<hbm>>
      %dma_wait3A_62 = arith.constant 0 : i32
      %dma_wait3A_63 = tpu.memref_slice %arg3[%mul3A_2, %dma_wait3A_62] : memref<2560x128xi32, #tpu.memory_space<hbm>> -> memref<80x128xi32, #tpu.memory_space<hbm>>
      tpu.wait_dma2 semaphore(%run_scoped3A : memref<!tpu.dma_semaphore, #tpu.memory_space<semaphore_mem>>) src(%dma_wait3A_63 : memref<80x128xi32, #tpu.memory_space<hbm>>) dst(%arg5 : memref<80x128xi32, #tpu.memory_space<vmem>>)
      tpu.yield
    }) : () -> ()
    %dma_start3A = arith.constant 0 : i32
    %dma_start3A_3 = arith.constant 0 : i32
    %dma_start3A_4 = arith.constant 0 : i32
    %dma_start3A_5 = tpu.memref_slice %arg5[%dma_start3A, %dma_start3A_4] : memref<80x128xi32, #tpu.memory_space<vmem>> -> memref<1x128xi32, #tpu.memory_space<vmem>>
    %dma_start3A_6 = tpu.memref_squeeze %dma_start3A_5 : memref<1x128xi32, #tpu.memory_space<vmem>> -> memref<128xi32, #tpu.memory_space<vmem>>
    %dma_start3A_7 = arith.constant 0 : i32
    %dma_start3A_8 = arith.constant 0 : i32
    %dma_start3A_9 = tpu.memref_slice %arg2[%dma_start3A_7, %dma_start3A_8] : memref<10000x128xf32, #tpu.memory_space<hbm>> -> memref<10000x128xf32, #tpu.memory_space<hbm>>
    %dma_start3A_10 = tpu.memref_slice %arg11[%dma_start3A_3] : memref<5x!tpu.dma_semaphore, #tpu.memory_space<semaphore_mem>> -> memref<1x!tpu.dma_semaphore, #tpu.memory_space<semaphore_mem>>
    %dma_start3A_11 = tpu.memref_squeeze %dma_start3A_10 : memref<1x!tpu.dma_semaphore, #tpu.memory_space<semaphore_mem>> -> memref<!tpu.dma_semaphore, #tpu.memory_space<semaphore_mem>>
    tpu.enqueue_indirect_dma source(%dma_start3A_9 : memref<10000x128xf32, #tpu.memory_space<hbm>>) target(%arg6 : memref<128x128xf32, #tpu.memory_space<vmem>>) offsets(%dma_start3A_6 : memref<128xi32, #tpu.memory_space<vmem>>) semaphore(%dma_start3A_11 : memref<!tpu.dma_semaphore, #tpu.memory_space<semaphore_mem>>)
    %dma_start3A_12 = arith.constant 1 : i32
    %dma_start3A_13 = arith.constant 1 : i32
    %dma_start3A_14 = arith.constant 0 : i32
    %dma_start3A_15 = tpu.memref_slice %arg5[%dma_start3A_12, %dma_start3A_14] : memref<80x128xi32, #tpu.memory_space<vmem>> -> memref<1x128xi32, #tpu.memory_space<vmem>>
    %dma_start3A_16 = tpu.memref_squeeze %dma_start3A_15 : memref<1x128xi32, #tpu.memory_space<vmem>> -> memref<128xi32, #tpu.memory_space<vmem>>
    %dma_start3A_17 = arith.constant 0 : i32
    %dma_start3A_18 = arith.constant 0 : i32
    %dma_start3A_19 = tpu.memref_slice %arg2[%dma_start3A_17, %dma_start3A_18] : memref<10000x128xf32, #tpu.memory_space<hbm>> -> memref<10000x128xf32, #tpu.memory_space<hbm>>
    %dma_start3A_20 = tpu.memref_slice %arg11[%dma_start3A_13] : memref<5x!tpu.dma_semaphore, #tpu.memory_space<semaphore_mem>> -> memref<1x!tpu.dma_semaphore, #tpu.memory_space<semaphore_mem>>
    %dma_start3A_21 = tpu.memref_squeeze %dma_start3A_20 : memref<1x!tpu.dma_semaphore, #tpu.memory_space<semaphore_mem>> -> memref<!tpu.dma_semaphore, #tpu.memory_space<semaphore_mem>>
    tpu.enqueue_indirect_dma source(%dma_start3A_19 : memref<10000x128xf32, #tpu.memory_space<hbm>>) target(%arg7 : memref<128x128xf32, #tpu.memory_space<vmem>>) offsets(%dma_start3A_16 : memref<128xi32, #tpu.memory_space<vmem>>) semaphore(%dma_start3A_21 : memref<!tpu.dma_semaphore, #tpu.memory_space<semaphore_mem>>)
    %dma_start3A_22 = arith.constant 2 : i32
    %dma_start3A_23 = arith.constant 2 : i32
    %dma_start3A_24 = arith.constant 0 : i32
    %dma_start3A_25 = tpu.memref_slice %arg5[%dma_start3A_22, %dma_start3A_24] : memref<80x128xi32, #tpu.memory_space<vmem>> -> memref<1x128xi32, #tpu.memory_space<vmem>>
    %dma_start3A_26 = tpu.memref_squeeze %dma_start3A_25 : memref<1x128xi32, #tpu.memory_space<vmem>> -> memref<128xi32, #tpu.memory_space<vmem>>
    %dma_start3A_27 = arith.constant 0 : i32
    %dma_start3A_28 = arith.constant 0 : i32
    %dma_start3A_29 = tpu.memref_slice %arg2[%dma_start3A_27, %dma_start3A_28] : memref<10000x128xf32, #tpu.memory_space<hbm>> -> memref<10000x128xf32, #tpu.memory_space<hbm>>
    %dma_start3A_30 = tpu.memref_slice %arg11[%dma_start3A_23] : memref<5x!tpu.dma_semaphore, #tpu.memory_space<semaphore_mem>> -> memref<1x!tpu.dma_semaphore, #tpu.memory_space<semaphore_mem>>
    %dma_start3A_31 = tpu.memref_squeeze %dma_start3A_30 : memref<1x!tpu.dma_semaphore, #tpu.memory_space<semaphore_mem>> -> memref<!tpu.dma_semaphore, #tpu.memory_space<semaphore_mem>>
    tpu.enqueue_indirect_dma source(%dma_start3A_29 : memref<10000x128xf32, #tpu.memory_space<hbm>>) target(%arg8 : memref<128x128xf32, #tpu.memory_space<vmem>>) offsets(%dma_start3A_26 : memref<128xi32, #tpu.memory_space<vmem>>) semaphore(%dma_start3A_31 : memref<!tpu.dma_semaphore, #tpu.memory_space<semaphore_mem>>)
    %dma_start3A_32 = arith.constant 3 : i32
    %dma_start3A_33 = arith.constant 3 : i32
    %dma_start3A_34 = arith.constant 0 : i32
    %dma_start3A_35 = tpu.memref_slice %arg5[%dma_start3A_32, %dma_start3A_34] : memref<80x128xi32, #tpu.memory_space<vmem>> -> memref<1x128xi32, #tpu.memory_space<vmem>>
    %dma_start3A_36 = tpu.memref_squeeze %dma_start3A_35 : memref<1x128xi32, #tpu.memory_space<vmem>> -> memref<128xi32, #tpu.memory_space<vmem>>
    %dma_start3A_37 = arith.constant 0 : i32
    %dma_start3A_38 = arith.constant 0 : i32
    %dma_start3A_39 = tpu.memref_slice %arg2[%dma_start3A_37, %dma_start3A_38] : memref<10000x128xf32, #tpu.memory_space<hbm>> -> memref<10000x128xf32, #tpu.memory_space<hbm>>
    %dma_start3A_40 = tpu.memref_slice %arg11[%dma_start3A_33] : memref<5x!tpu.dma_semaphore, #tpu.memory_space<semaphore_mem>> -> memref<1x!tpu.dma_semaphore, #tpu.memory_space<semaphore_mem>>
    %dma_start3A_41 = tpu.memref_squeeze %dma_start3A_40 : memref<1x!tpu.dma_semaphore, #tpu.memory_space<semaphore_mem>> -> memref<!tpu.dma_semaphore, #tpu.memory_space<semaphore_mem>>
    tpu.enqueue_indirect_dma source(%dma_start3A_39 : memref<10000x128xf32, #tpu.memory_space<hbm>>) target(%arg9 : memref<128x128xf32, #tpu.memory_space<vmem>>) offsets(%dma_start3A_36 : memref<128xi32, #tpu.memory_space<vmem>>) semaphore(%dma_start3A_41 : memref<!tpu.dma_semaphore, #tpu.memory_space<semaphore_mem>>)
    %dma_start3A_42 = arith.constant 4 : i32
    %dma_start3A_43 = arith.constant 4 : i32
    %dma_start3A_44 = arith.constant 0 : i32
    %dma_start3A_45 = tpu.memref_slice %arg5[%dma_start3A_42, %dma_start3A_44] : memref<80x128xi32, #tpu.memory_space<vmem>> -> memref<1x128xi32, #tpu.memory_space<vmem>>
    %dma_start3A_46 = tpu.memref_squeeze %dma_start3A_45 : memref<1x128xi32, #tpu.memory_space<vmem>> -> memref<128xi32, #tpu.memory_space<vmem>>
    %dma_start3A_47 = arith.constant 0 : i32
    %dma_start3A_48 = arith.constant 0 : i32
    %dma_start3A_49 = tpu.memref_slice %arg2[%dma_start3A_47, %dma_start3A_48] : memref<10000x128xf32, #tpu.memory_space<hbm>> -> memref<10000x128xf32, #tpu.memory_space<hbm>>
    %dma_start3A_50 = tpu.memref_slice %arg11[%dma_start3A_43] : memref<5x!tpu.dma_semaphore, #tpu.memory_space<semaphore_mem>> -> memref<1x!tpu.dma_semaphore, #tpu.memory_space<semaphore_mem>>
    %dma_start3A_51 = tpu.memref_squeeze %dma_start3A_50 : memref<1x!tpu.dma_semaphore, #tpu.memory_space<semaphore_mem>> -> memref<!tpu.dma_semaphore, #tpu.memory_space<semaphore_mem>>
    tpu.enqueue_indirect_dma source(%dma_start3A_49 : memref<10000x128xf32, #tpu.memory_space<hbm>>) target(%arg10 : memref<128x128xf32, #tpu.memory_space<vmem>>) offsets(%dma_start3A_46 : memref<128xi32, #tpu.memory_space<vmem>>) semaphore(%dma_start3A_51 : memref<!tpu.dma_semaphore, #tpu.memory_space<semaphore_mem>>)
    %scan3A = arith.constant 0 : i32
    %scan3A_52 = arith.constant 0 : i32
    %scan3A_53 = arith.constant 16 : i32
    %scan3A_54 = arith.addi %scan3A_52, %scan3A_53 : i32
    %scan3A_55 = arith.constant 1 : i32
    scf.for %scan3A_57 = %scan3A_52 to %scan3A_54 step %scan3A_55  : i32 {
      %mul3A_58 = arith.constant 5 : i32
      %mul3A_59 = arith.muli %scan3A_57, %mul3A_58 : i32
      %add3A_60 = arith.constant 0 : i32
      %add3A_61 = arith.addi %mul3A_59, %add3A_60 : i32
      %dma_wait3A = arith.constant 0 : i32
      %dma_wait3A_62 = arith.constant 0 : i32
      %dma_wait3A_63 = arith.constant 0 : i32
      %dma_wait3A_64 = tpu.memref_slice %arg2[%dma_wait3A_62, %dma_wait3A_63] : memref<10000x128xf32, #tpu.memory_space<hbm>> -> memref<128x128xf32, #tpu.memory_space<hbm>>
      %dma_wait3A_65 = tpu.memref_slice %arg11[%dma_wait3A] : memref<5x!tpu.dma_semaphore, #tpu.memory_space<semaphore_mem>> -> memref<1x!tpu.dma_semaphore, #tpu.memory_space<semaphore_mem>>
      %dma_wait3A_66 = tpu.memref_squeeze %dma_wait3A_65 : memref<1x!tpu.dma_semaphore, #tpu.memory_space<semaphore_mem>> -> memref<!tpu.dma_semaphore, #tpu.memory_space<semaphore_mem>>
      %dma_wait3A_67 = arith.constant 0 : i32
      %dma_wait3A_68 = arith.constant 0 : i32
      %dma_wait3A_69 = tpu.memref_slice %arg2[%dma_wait3A_67, %dma_wait3A_68] : memref<10000x128xf32, #tpu.memory_space<hbm>> -> memref<128x128xf32, #tpu.memory_space<hbm>>
      tpu.wait_dma2 semaphore(%dma_wait3A_66 : memref<!tpu.dma_semaphore, #tpu.memory_space<semaphore_mem>>) src(%dma_wait3A_69 : memref<128x128xf32, #tpu.memory_space<hbm>>) dst(%arg6 : memref<128x128xf32, #tpu.memory_space<vmem>>)
      %add3A_70 = arith.addi %mul3A_2, %add3A_61 : i32
      %mul3A_71 = arith.constant 128 : i32
      %mul3A_72 = arith.muli %add3A_70, %mul3A_71 : i32
      %dma_start3A_73 = arith.constant 0 : i32
      %dma_start3A_74 = arith.constant 0 : i32
      %dma_start3A_75 = tpu.memref_slice %arg4[%mul3A_72, %dma_start3A_74] : memref<327680x128xf32, #tpu.memory_space<hbm>> -> memref<128x128xf32, #tpu.memory_space<hbm>>
      %dma_start3A_76 = tpu.memref_slice %arg12[%dma_start3A_73] : memref<5x!tpu.dma_semaphore, #tpu.memory_space<semaphore_mem>> -> memref<1x!tpu.dma_semaphore, #tpu.memory_space<semaphore_mem>>
      %dma_start3A_77 = tpu.memref_squeeze %dma_start3A_76 : memref<1x!tpu.dma_semaphore, #tpu.memory_space<semaphore_mem>> -> memref<!tpu.dma_semaphore, #tpu.memory_space<semaphore_mem>>
      %dma_start3A_78 = arith.constant 0 : i32
      %dma_start3A_79 = tpu.memref_slice %arg4[%mul3A_72, %dma_start3A_78] : memref<327680x128xf32, #tpu.memory_space<hbm>> -> memref<128x128xf32, #tpu.memory_space<hbm>>
      tpu.enqueue_dma source(%arg6 : memref<128x128xf32, #tpu.memory_space<vmem>>) target(%dma_start3A_79 : memref<128x128xf32, #tpu.memory_space<hbm>>) target_semaphore(%dma_start3A_77 : memref<!tpu.dma_semaphore, #tpu.memory_space<semaphore_mem>>)
      %dma_wait3A_80 = arith.constant 0 : i32
      %dma_wait3A_81 = arith.constant 0 : i32
      %dma_wait3A_82 = arith.constant 0 : i32
      %dma_wait3A_83 = tpu.memref_slice %arg4[%dma_wait3A_81, %dma_wait3A_82] : memref<327680x128xf32, #tpu.memory_space<hbm>> -> memref<128x128xf32, #tpu.memory_space<hbm>>
      %dma_wait3A_84 = tpu.memref_slice %arg12[%dma_wait3A_80] : memref<5x!tpu.dma_semaphore, #tpu.memory_space<semaphore_mem>> -> memref<1x!tpu.dma_semaphore, #tpu.memory_space<semaphore_mem>>
      %dma_wait3A_85 = tpu.memref_squeeze %dma_wait3A_84 : memref<1x!tpu.dma_semaphore, #tpu.memory_space<semaphore_mem>> -> memref<!tpu.dma_semaphore, #tpu.memory_space<semaphore_mem>>
      %dma_wait3A_86 = arith.constant 0 : i32
      %dma_wait3A_87 = arith.constant 0 : i32
      %dma_wait3A_88 = tpu.memref_slice %arg4[%dma_wait3A_86, %dma_wait3A_87] : memref<327680x128xf32, #tpu.memory_space<hbm>> -> memref<128x128xf32, #tpu.memory_space<hbm>>
      tpu.wait_dma2 semaphore(%dma_wait3A_85 : memref<!tpu.dma_semaphore, #tpu.memory_space<semaphore_mem>>) src(%arg6 : memref<128x128xf32, #tpu.memory_space<vmem>>) dst(%dma_wait3A_88 : memref<128x128xf32, #tpu.memory_space<hbm>>)
      %add3A_89 = arith.constant 5 : i32
      %add3A_90 = arith.addi %add3A_61, %add3A_89 : i32
      %lt3A = arith.constant 80 : i32
      %lt3A_91 = arith.cmpi slt, %add3A_90, %lt3A : i32
      %convert_element_type3A = arith.extui %lt3A_91 : i1 to i32
      %cond3A = arith.constant 0 : i32
      %cond3A_92 = arith.cmpi ne, %convert_element_type3A, %cond3A : i32
      scf.if %cond3A_92 {
        %add3A_249 = arith.constant 5 : i32
        %add3A_250 = arith.addi %add3A_61, %add3A_249 : i32
        %dma_start3A_251 = arith.constant 0 : i32
        %dma_start3A_252 = arith.constant 0 : i32
        %dma_start3A_253 = tpu.memref_slice %arg5[%add3A_250, %dma_start3A_252] : memref<80x128xi32, #tpu.memory_space<vmem>> -> memref<1x128xi32, #tpu.memory_space<vmem>>
        %dma_start3A_254 = tpu.memref_squeeze %dma_start3A_253 : memref<1x128xi32, #tpu.memory_space<vmem>> -> memref<128xi32, #tpu.memory_space<vmem>>
        %dma_start3A_255 = arith.constant 0 : i32
        %dma_start3A_256 = arith.constant 0 : i32
        %dma_start3A_257 = tpu.memref_slice %arg2[%dma_start3A_255, %dma_start3A_256] : memref<10000x128xf32, #tpu.memory_space<hbm>> -> memref<10000x128xf32, #tpu.memory_space<hbm>>
        %dma_start3A_258 = tpu.memref_slice %arg11[%dma_start3A_251] : memref<5x!tpu.dma_semaphore, #tpu.memory_space<semaphore_mem>> -> memref<1x!tpu.dma_semaphore, #tpu.memory_space<semaphore_mem>>
        %dma_start3A_259 = tpu.memref_squeeze %dma_start3A_258 : memref<1x!tpu.dma_semaphore, #tpu.memory_space<semaphore_mem>> -> memref<!tpu.dma_semaphore, #tpu.memory_space<semaphore_mem>>
        tpu.enqueue_indirect_dma source(%dma_start3A_257 : memref<10000x128xf32, #tpu.memory_space<hbm>>) target(%arg6 : memref<128x128xf32, #tpu.memory_space<vmem>>) offsets(%dma_start3A_254 : memref<128xi32, #tpu.memory_space<vmem>>) semaphore(%dma_start3A_259 : memref<!tpu.dma_semaphore, #tpu.memory_space<semaphore_mem>>)
      } else {
      }
      %mul3A_93 = arith.constant 5 : i32
      %mul3A_94 = arith.muli %scan3A_57, %mul3A_93 : i32
      %add3A_95 = arith.constant 1 : i32
      %add3A_96 = arith.addi %mul3A_94, %add3A_95 : i32
      %dma_wait3A_97 = arith.constant 1 : i32
      %dma_wait3A_98 = arith.constant 0 : i32
      %dma_wait3A_99 = arith.constant 0 : i32
      %dma_wait3A_100 = tpu.memref_slice %arg2[%dma_wait3A_98, %dma_wait3A_99] : memref<10000x128xf32, #tpu.memory_space<hbm>> -> memref<128x128xf32, #tpu.memory_space<hbm>>
      %dma_wait3A_101 = tpu.memref_slice %arg11[%dma_wait3A_97] : memref<5x!tpu.dma_semaphore, #tpu.memory_space<semaphore_mem>> -> memref<1x!tpu.dma_semaphore, #tpu.memory_space<semaphore_mem>>
      %dma_wait3A_102 = tpu.memref_squeeze %dma_wait3A_101 : memref<1x!tpu.dma_semaphore, #tpu.memory_space<semaphore_mem>> -> memref<!tpu.dma_semaphore, #tpu.memory_space<semaphore_mem>>
      %dma_wait3A_103 = arith.constant 0 : i32
      %dma_wait3A_104 = arith.constant 0 : i32
      %dma_wait3A_105 = tpu.memref_slice %arg2[%dma_wait3A_103, %dma_wait3A_104] : memref<10000x128xf32, #tpu.memory_space<hbm>> -> memref<128x128xf32, #tpu.memory_space<hbm>>
      tpu.wait_dma2 semaphore(%dma_wait3A_102 : memref<!tpu.dma_semaphore, #tpu.memory_space<semaphore_mem>>) src(%dma_wait3A_105 : memref<128x128xf32, #tpu.memory_space<hbm>>) dst(%arg7 : memref<128x128xf32, #tpu.memory_space<vmem>>)
      %add3A_106 = arith.addi %mul3A_2, %add3A_96 : i32
      %mul3A_107 = arith.constant 128 : i32
      %mul3A_108 = arith.muli %add3A_106, %mul3A_107 : i32
      %dma_start3A_109 = arith.constant 1 : i32
      %dma_start3A_110 = arith.constant 0 : i32
      %dma_start3A_111 = tpu.memref_slice %arg4[%mul3A_108, %dma_start3A_110] : memref<327680x128xf32, #tpu.memory_space<hbm>> -> memref<128x128xf32, #tpu.memory_space<hbm>>
      %dma_start3A_112 = tpu.memref_slice %arg12[%dma_start3A_109] : memref<5x!tpu.dma_semaphore, #tpu.memory_space<semaphore_mem>> -> memref<1x!tpu.dma_semaphore, #tpu.memory_space<semaphore_mem>>
      %dma_start3A_113 = tpu.memref_squeeze %dma_start3A_112 : memref<1x!tpu.dma_semaphore, #tpu.memory_space<semaphore_mem>> -> memref<!tpu.dma_semaphore, #tpu.memory_space<semaphore_mem>>
      %dma_start3A_114 = arith.constant 0 : i32
      %dma_start3A_115 = tpu.memref_slice %arg4[%mul3A_108, %dma_start3A_114] : memref<327680x128xf32, #tpu.memory_space<hbm>> -> memref<128x128xf32, #tpu.memory_space<hbm>>
      tpu.enqueue_dma source(%arg7 : memref<128x128xf32, #tpu.memory_space<vmem>>) target(%dma_start3A_115 : memref<128x128xf32, #tpu.memory_space<hbm>>) target_semaphore(%dma_start3A_113 : memref<!tpu.dma_semaphore, #tpu.memory_space<semaphore_mem>>)
      %dma_wait3A_116 = arith.constant 1 : i32
      %dma_wait3A_117 = arith.constant 0 : i32
      %dma_wait3A_118 = arith.constant 0 : i32
      %dma_wait3A_119 = tpu.memref_slice %arg4[%dma_wait3A_117, %dma_wait3A_118] : memref<327680x128xf32, #tpu.memory_space<hbm>> -> memref<128x128xf32, #tpu.memory_space<hbm>>
      %dma_wait3A_120 = tpu.memref_slice %arg12[%dma_wait3A_116] : memref<5x!tpu.dma_semaphore, #tpu.memory_space<semaphore_mem>> -> memref<1x!tpu.dma_semaphore, #tpu.memory_space<semaphore_mem>>
      %dma_wait3A_121 = tpu.memref_squeeze %dma_wait3A_120 : memref<1x!tpu.dma_semaphore, #tpu.memory_space<semaphore_mem>> -> memref<!tpu.dma_semaphore, #tpu.memory_space<semaphore_mem>>
      %dma_wait3A_122 = arith.constant 0 : i32
      %dma_wait3A_123 = arith.constant 0 : i32
      %dma_wait3A_124 = tpu.memref_slice %arg4[%dma_wait3A_122, %dma_wait3A_123] : memref<327680x128xf32, #tpu.memory_space<hbm>> -> memref<128x128xf32, #tpu.memory_space<hbm>>
      tpu.wait_dma2 semaphore(%dma_wait3A_121 : memref<!tpu.dma_semaphore, #tpu.memory_space<semaphore_mem>>) src(%arg7 : memref<128x128xf32, #tpu.memory_space<vmem>>) dst(%dma_wait3A_124 : memref<128x128xf32, #tpu.memory_space<hbm>>)
      %add3A_125 = arith.constant 5 : i32
      %add3A_126 = arith.addi %add3A_96, %add3A_125 : i32
      %lt3A_127 = arith.constant 80 : i32
      %lt3A_128 = arith.cmpi slt, %add3A_126, %lt3A_127 : i32
      %convert_element_type3A_129 = arith.extui %lt3A_128 : i1 to i32
      %cond3A_130 = arith.constant 0 : i32
      %cond3A_131 = arith.cmpi ne, %convert_element_type3A_129, %cond3A_130 : i32
      scf.if %cond3A_131 {
        %add3A_249 = arith.constant 5 : i32
        %add3A_250 = arith.addi %add3A_96, %add3A_249 : i32
        %dma_start3A_251 = arith.constant 1 : i32
        %dma_start3A_252 = arith.constant 0 : i32
        %dma_start3A_253 = tpu.memref_slice %arg5[%add3A_250, %dma_start3A_252] : memref<80x128xi32, #tpu.memory_space<vmem>> -> memref<1x128xi32, #tpu.memory_space<vmem>>
        %dma_start3A_254 = tpu.memref_squeeze %dma_start3A_253 : memref<1x128xi32, #tpu.memory_space<vmem>> -> memref<128xi32, #tpu.memory_space<vmem>>
        %dma_start3A_255 = arith.constant 0 : i32
        %dma_start3A_256 = arith.constant 0 : i32
        %dma_start3A_257 = tpu.memref_slice %arg2[%dma_start3A_255, %dma_start3A_256] : memref<10000x128xf32, #tpu.memory_space<hbm>> -> memref<10000x128xf32, #tpu.memory_space<hbm>>
        %dma_start3A_258 = tpu.memref_slice %arg11[%dma_start3A_251] : memref<5x!tpu.dma_semaphore, #tpu.memory_space<semaphore_mem>> -> memref<1x!tpu.dma_semaphore, #tpu.memory_space<semaphore_mem>>
        %dma_start3A_259 = tpu.memref_squeeze %dma_start3A_258 : memref<1x!tpu.dma_semaphore, #tpu.memory_space<semaphore_mem>> -> memref<!tpu.dma_semaphore, #tpu.memory_space<semaphore_mem>>
        tpu.enqueue_indirect_dma source(%dma_start3A_257 : memref<10000x128xf32, #tpu.memory_space<hbm>>) target(%arg7 : memref<128x128xf32, #tpu.memory_space<vmem>>) offsets(%dma_start3A_254 : memref<128xi32, #tpu.memory_space<vmem>>) semaphore(%dma_start3A_259 : memref<!tpu.dma_semaphore, #tpu.memory_space<semaphore_mem>>)
      } else {
      }
      %mul3A_132 = arith.constant 5 : i32
      %mul3A_133 = arith.muli %scan3A_57, %mul3A_132 : i32
      %add3A_134 = arith.constant 2 : i32
      %add3A_135 = arith.addi %mul3A_133, %add3A_134 : i32
      %dma_wait3A_136 = arith.constant 2 : i32
      %dma_wait3A_137 = arith.constant 0 : i32
      %dma_wait3A_138 = arith.constant 0 : i32
      %dma_wait3A_139 = tpu.memref_slice %arg2[%dma_wait3A_137, %dma_wait3A_138] : memref<10000x128xf32, #tpu.memory_space<hbm>> -> memref<128x128xf32, #tpu.memory_space<hbm>>
      %dma_wait3A_140 = tpu.memref_slice %arg11[%dma_wait3A_136] : memref<5x!tpu.dma_semaphore, #tpu.memory_space<semaphore_mem>> -> memref<1x!tpu.dma_semaphore, #tpu.memory_space<semaphore_mem>>
      %dma_wait3A_141 = tpu.memref_squeeze %dma_wait3A_140 : memref<1x!tpu.dma_semaphore, #tpu.memory_space<semaphore_mem>> -> memref<!tpu.dma_semaphore, #tpu.memory_space<semaphore_mem>>
      %dma_wait3A_142 = arith.constant 0 : i32
      %dma_wait3A_143 = arith.constant 0 : i32
      %dma_wait3A_144 = tpu.memref_slice %arg2[%dma_wait3A_142, %dma_wait3A_143] : memref<10000x128xf32, #tpu.memory_space<hbm>> -> memref<128x128xf32, #tpu.memory_space<hbm>>
      tpu.wait_dma2 semaphore(%dma_wait3A_141 : memref<!tpu.dma_semaphore, #tpu.memory_space<semaphore_mem>>) src(%dma_wait3A_144 : memref<128x128xf32, #tpu.memory_space<hbm>>) dst(%arg8 : memref<128x128xf32, #tpu.memory_space<vmem>>)
      %add3A_145 = arith.addi %mul3A_2, %add3A_135 : i32
      %mul3A_146 = arith.constant 128 : i32
      %mul3A_147 = arith.muli %add3A_145, %mul3A_146 : i32
      %dma_start3A_148 = arith.constant 2 : i32
      %dma_start3A_149 = arith.constant 0 : i32
      %dma_start3A_150 = tpu.memref_slice %arg4[%mul3A_147, %dma_start3A_149] : memref<327680x128xf32, #tpu.memory_space<hbm>> -> memref<128x128xf32, #tpu.memory_space<hbm>>
      %dma_start3A_151 = tpu.memref_slice %arg12[%dma_start3A_148] : memref<5x!tpu.dma_semaphore, #tpu.memory_space<semaphore_mem>> -> memref<1x!tpu.dma_semaphore, #tpu.memory_space<semaphore_mem>>
      %dma_start3A_152 = tpu.memref_squeeze %dma_start3A_151 : memref<1x!tpu.dma_semaphore, #tpu.memory_space<semaphore_mem>> -> memref<!tpu.dma_semaphore, #tpu.memory_space<semaphore_mem>>
      %dma_start3A_153 = arith.constant 0 : i32
      %dma_start3A_154 = tpu.memref_slice %arg4[%mul3A_147, %dma_start3A_153] : memref<327680x128xf32, #tpu.memory_space<hbm>> -> memref<128x128xf32, #tpu.memory_space<hbm>>
      tpu.enqueue_dma source(%arg8 : memref<128x128xf32, #tpu.memory_space<vmem>>) target(%dma_start3A_154 : memref<128x128xf32, #tpu.memory_space<hbm>>) target_semaphore(%dma_start3A_152 : memref<!tpu.dma_semaphore, #tpu.memory_space<semaphore_mem>>)
      %dma_wait3A_155 = arith.constant 2 : i32
      %dma_wait3A_156 = arith.constant 0 : i32
      %dma_wait3A_157 = arith.constant 0 : i32
      %dma_wait3A_158 = tpu.memref_slice %arg4[%dma_wait3A_156, %dma_wait3A_157] : memref<327680x128xf32, #tpu.memory_space<hbm>> -> memref<128x128xf32, #tpu.memory_space<hbm>>
      %dma_wait3A_159 = tpu.memref_slice %arg12[%dma_wait3A_155] : memref<5x!tpu.dma_semaphore, #tpu.memory_space<semaphore_mem>> -> memref<1x!tpu.dma_semaphore, #tpu.memory_space<semaphore_mem>>
      %dma_wait3A_160 = tpu.memref_squeeze %dma_wait3A_159 : memref<1x!tpu.dma_semaphore, #tpu.memory_space<semaphore_mem>> -> memref<!tpu.dma_semaphore, #tpu.memory_space<semaphore_mem>>
      %dma_wait3A_161 = arith.constant 0 : i32
      %dma_wait3A_162 = arith.constant 0 : i32
      %dma_wait3A_163 = tpu.memref_slice %arg4[%dma_wait3A_161, %dma_wait3A_162] : memref<327680x128xf32, #tpu.memory_space<hbm>> -> memref<128x128xf32, #tpu.memory_space<hbm>>
      tpu.wait_dma2 semaphore(%dma_wait3A_160 : memref<!tpu.dma_semaphore, #tpu.memory_space<semaphore_mem>>) src(%arg8 : memref<128x128xf32, #tpu.memory_space<vmem>>) dst(%dma_wait3A_163 : memref<128x128xf32, #tpu.memory_space<hbm>>)
      %add3A_164 = arith.constant 5 : i32
      %add3A_165 = arith.addi %add3A_135, %add3A_164 : i32
      %lt3A_166 = arith.constant 80 : i32
      %lt3A_167 = arith.cmpi slt, %add3A_165, %lt3A_166 : i32
      %convert_element_type3A_168 = arith.extui %lt3A_167 : i1 to i32
      %cond3A_169 = arith.constant 0 : i32
      %cond3A_170 = arith.cmpi ne, %convert_element_type3A_168, %cond3A_169 : i32
      scf.if %cond3A_170 {
        %add3A_249 = arith.constant 5 : i32
        %add3A_250 = arith.addi %add3A_135, %add3A_249 : i32
        %dma_start3A_251 = arith.constant 2 : i32
        %dma_start3A_252 = arith.constant 0 : i32
        %dma_start3A_253 = tpu.memref_slice %arg5[%add3A_250, %dma_start3A_252] : memref<80x128xi32, #tpu.memory_space<vmem>> -> memref<1x128xi32, #tpu.memory_space<vmem>>
        %dma_start3A_254 = tpu.memref_squeeze %dma_start3A_253 : memref<1x128xi32, #tpu.memory_space<vmem>> -> memref<128xi32, #tpu.memory_space<vmem>>
        %dma_start3A_255 = arith.constant 0 : i32
        %dma_start3A_256 = arith.constant 0 : i32
        %dma_start3A_257 = tpu.memref_slice %arg2[%dma_start3A_255, %dma_start3A_256] : memref<10000x128xf32, #tpu.memory_space<hbm>> -> memref<10000x128xf32, #tpu.memory_space<hbm>>
        %dma_start3A_258 = tpu.memref_slice %arg11[%dma_start3A_251] : memref<5x!tpu.dma_semaphore, #tpu.memory_space<semaphore_mem>> -> memref<1x!tpu.dma_semaphore, #tpu.memory_space<semaphore_mem>>
        %dma_start3A_259 = tpu.memref_squeeze %dma_start3A_258 : memref<1x!tpu.dma_semaphore, #tpu.memory_space<semaphore_mem>> -> memref<!tpu.dma_semaphore, #tpu.memory_space<semaphore_mem>>
        tpu.enqueue_indirect_dma source(%dma_start3A_257 : memref<10000x128xf32, #tpu.memory_space<hbm>>) target(%arg8 : memref<128x128xf32, #tpu.memory_space<vmem>>) offsets(%dma_start3A_254 : memref<128xi32, #tpu.memory_space<vmem>>) semaphore(%dma_start3A_259 : memref<!tpu.dma_semaphore, #tpu.memory_space<semaphore_mem>>)
      } else {
      }
      %mul3A_171 = arith.constant 5 : i32
      %mul3A_172 = arith.muli %scan3A_57, %mul3A_171 : i32
      %add3A_173 = arith.constant 3 : i32
      %add3A_174 = arith.addi %mul3A_172, %add3A_173 : i32
      %dma_wait3A_175 = arith.constant 3 : i32
      %dma_wait3A_176 = arith.constant 0 : i32
      %dma_wait3A_177 = arith.constant 0 : i32
      %dma_wait3A_178 = tpu.memref_slice %arg2[%dma_wait3A_176, %dma_wait3A_177] : memref<10000x128xf32, #tpu.memory_space<hbm>> -> memref<128x128xf32, #tpu.memory_space<hbm>>
      %dma_wait3A_179 = tpu.memref_slice %arg11[%dma_wait3A_175] : memref<5x!tpu.dma_semaphore, #tpu.memory_space<semaphore_mem>> -> memref<1x!tpu.dma_semaphore, #tpu.memory_space<semaphore_mem>>
      %dma_wait3A_180 = tpu.memref_squeeze %dma_wait3A_179 : memref<1x!tpu.dma_semaphore, #tpu.memory_space<semaphore_mem>> -> memref<!tpu.dma_semaphore, #tpu.memory_space<semaphore_mem>>
      %dma_wait3A_181 = arith.constant 0 : i32
      %dma_wait3A_182 = arith.constant 0 : i32
      %dma_wait3A_183 = tpu.memref_slice %arg2[%dma_wait3A_181, %dma_wait3A_182] : memref<10000x128xf32, #tpu.memory_space<hbm>> -> memref<128x128xf32, #tpu.memory_space<hbm>>
      tpu.wait_dma2 semaphore(%dma_wait3A_180 : memref<!tpu.dma_semaphore, #tpu.memory_space<semaphore_mem>>) src(%dma_wait3A_183 : memref<128x128xf32, #tpu.memory_space<hbm>>) dst(%arg9 : memref<128x128xf32, #tpu.memory_space<vmem>>)
      %add3A_184 = arith.addi %mul3A_2, %add3A_174 : i32
      %mul3A_185 = arith.constant 128 : i32
      %mul3A_186 = arith.muli %add3A_184, %mul3A_185 : i32
      %dma_start3A_187 = arith.constant 3 : i32
      %dma_start3A_188 = arith.constant 0 : i32
      %dma_start3A_189 = tpu.memref_slice %arg4[%mul3A_186, %dma_start3A_188] : memref<327680x128xf32, #tpu.memory_space<hbm>> -> memref<128x128xf32, #tpu.memory_space<hbm>>
      %dma_start3A_190 = tpu.memref_slice %arg12[%dma_start3A_187] : memref<5x!tpu.dma_semaphore, #tpu.memory_space<semaphore_mem>> -> memref<1x!tpu.dma_semaphore, #tpu.memory_space<semaphore_mem>>
      %dma_start3A_191 = tpu.memref_squeeze %dma_start3A_190 : memref<1x!tpu.dma_semaphore, #tpu.memory_space<semaphore_mem>> -> memref<!tpu.dma_semaphore, #tpu.memory_space<semaphore_mem>>
      %dma_start3A_192 = arith.constant 0 : i32
      %dma_start3A_193 = tpu.memref_slice %arg4[%mul3A_186, %dma_start3A_192] : memref<327680x128xf32, #tpu.memory_space<hbm>> -> memref<128x128xf32, #tpu.memory_space<hbm>>
      tpu.enqueue_dma source(%arg9 : memref<128x128xf32, #tpu.memory_space<vmem>>) target(%dma_start3A_193 : memref<128x128xf32, #tpu.memory_space<hbm>>) target_semaphore(%dma_start3A_191 : memref<!tpu.dma_semaphore, #tpu.memory_space<semaphore_mem>>)
      %dma_wait3A_194 = arith.constant 3 : i32
      %dma_wait3A_195 = arith.constant 0 : i32
      %dma_wait3A_196 = arith.constant 0 : i32
      %dma_wait3A_197 = tpu.memref_slice %arg4[%dma_wait3A_195, %dma_wait3A_196] : memref<327680x128xf32, #tpu.memory_space<hbm>> -> memref<128x128xf32, #tpu.memory_space<hbm>>
      %dma_wait3A_198 = tpu.memref_slice %arg12[%dma_wait3A_194] : memref<5x!tpu.dma_semaphore, #tpu.memory_space<semaphore_mem>> -> memref<1x!tpu.dma_semaphore, #tpu.memory_space<semaphore_mem>>
      %dma_wait3A_199 = tpu.memref_squeeze %dma_wait3A_198 : memref<1x!tpu.dma_semaphore, #tpu.memory_space<semaphore_mem>> -> memref<!tpu.dma_semaphore, #tpu.memory_space<semaphore_mem>>
      %dma_wait3A_200 = arith.constant 0 : i32
      %dma_wait3A_201 = arith.constant 0 : i32
      %dma_wait3A_202 = tpu.memref_slice %arg4[%dma_wait3A_200, %dma_wait3A_201] : memref<327680x128xf32, #tpu.memory_space<hbm>> -> memref<128x128xf32, #tpu.memory_space<hbm>>
      tpu.wait_dma2 semaphore(%dma_wait3A_199 : memref<!tpu.dma_semaphore, #tpu.memory_space<semaphore_mem>>) src(%arg9 : memref<128x128xf32, #tpu.memory_space<vmem>>) dst(%dma_wait3A_202 : memref<128x128xf32, #tpu.memory_space<hbm>>)
      %add3A_203 = arith.constant 5 : i32
      %add3A_204 = arith.addi %add3A_174, %add3A_203 : i32
      %lt3A_205 = arith.constant 80 : i32
      %lt3A_206 = arith.cmpi slt, %add3A_204, %lt3A_205 : i32
      %convert_element_type3A_207 = arith.extui %lt3A_206 : i1 to i32
      %cond3A_208 = arith.constant 0 : i32
      %cond3A_209 = arith.cmpi ne, %convert_element_type3A_207, %cond3A_208 : i32
      scf.if %cond3A_209 {
        %add3A_249 = arith.constant 5 : i32
        %add3A_250 = arith.addi %add3A_174, %add3A_249 : i32
        %dma_start3A_251 = arith.constant 3 : i32
        %dma_start3A_252 = arith.constant 0 : i32
        %dma_start3A_253 = tpu.memref_slice %arg5[%add3A_250, %dma_start3A_252] : memref<80x128xi32, #tpu.memory_space<vmem>> -> memref<1x128xi32, #tpu.memory_space<vmem>>
        %dma_start3A_254 = tpu.memref_squeeze %dma_start3A_253 : memref<1x128xi32, #tpu.memory_space<vmem>> -> memref<128xi32, #tpu.memory_space<vmem>>
        %dma_start3A_255 = arith.constant 0 : i32
        %dma_start3A_256 = arith.constant 0 : i32
        %dma_start3A_257 = tpu.memref_slice %arg2[%dma_start3A_255, %dma_start3A_256] : memref<10000x128xf32, #tpu.memory_space<hbm>> -> memref<10000x128xf32, #tpu.memory_space<hbm>>
        %dma_start3A_258 = tpu.memref_slice %arg11[%dma_start3A_251] : memref<5x!tpu.dma_semaphore, #tpu.memory_space<semaphore_mem>> -> memref<1x!tpu.dma_semaphore, #tpu.memory_space<semaphore_mem>>
        %dma_start3A_259 = tpu.memref_squeeze %dma_start3A_258 : memref<1x!tpu.dma_semaphore, #tpu.memory_space<semaphore_mem>> -> memref<!tpu.dma_semaphore, #tpu.memory_space<semaphore_mem>>
        tpu.enqueue_indirect_dma source(%dma_start3A_257 : memref<10000x128xf32, #tpu.memory_space<hbm>>) target(%arg9 : memref<128x128xf32, #tpu.memory_space<vmem>>) offsets(%dma_start3A_254 : memref<128xi32, #tpu.memory_space<vmem>>) semaphore(%dma_start3A_259 : memref<!tpu.dma_semaphore, #tpu.memory_space<semaphore_mem>>)
      } else {
      }
      %mul3A_210 = arith.constant 5 : i32
      %mul3A_211 = arith.muli %scan3A_57, %mul3A_210 : i32
      %add3A_212 = arith.constant 4 : i32
      %add3A_213 = arith.addi %mul3A_211, %add3A_212 : i32
      %dma_wait3A_214 = arith.constant 4 : i32
      %dma_wait3A_215 = arith.constant 0 : i32
      %dma_wait3A_216 = arith.constant 0 : i32
      %dma_wait3A_217 = tpu.memref_slice %arg2[%dma_wait3A_215, %dma_wait3A_216] : memref<10000x128xf32, #tpu.memory_space<hbm>> -> memref<128x128xf32, #tpu.memory_space<hbm>>
      %dma_wait3A_218 = tpu.memref_slice %arg11[%dma_wait3A_214] : memref<5x!tpu.dma_semaphore, #tpu.memory_space<semaphore_mem>> -> memref<1x!tpu.dma_semaphore, #tpu.memory_space<semaphore_mem>>
      %dma_wait3A_219 = tpu.memref_squeeze %dma_wait3A_218 : memref<1x!tpu.dma_semaphore, #tpu.memory_space<semaphore_mem>> -> memref<!tpu.dma_semaphore, #tpu.memory_space<semaphore_mem>>
      %dma_wait3A_220 = arith.constant 0 : i32
      %dma_wait3A_221 = arith.constant 0 : i32
      %dma_wait3A_222 = tpu.memref_slice %arg2[%dma_wait3A_220, %dma_wait3A_221] : memref<10000x128xf32, #tpu.memory_space<hbm>> -> memref<128x128xf32, #tpu.memory_space<hbm>>
      tpu.wait_dma2 semaphore(%dma_wait3A_219 : memref<!tpu.dma_semaphore, #tpu.memory_space<semaphore_mem>>) src(%dma_wait3A_222 : memref<128x128xf32, #tpu.memory_space<hbm>>) dst(%arg10 : memref<128x128xf32, #tpu.memory_space<vmem>>)
      %add3A_223 = arith.addi %mul3A_2, %add3A_213 : i32
      %mul3A_224 = arith.constant 128 : i32
      %mul3A_225 = arith.muli %add3A_223, %mul3A_224 : i32
      %dma_start3A_226 = arith.constant 4 : i32
      %dma_start3A_227 = arith.constant 0 : i32
      %dma_start3A_228 = tpu.memref_slice %arg4[%mul3A_225, %dma_start3A_227] : memref<327680x128xf32, #tpu.memory_space<hbm>> -> memref<128x128xf32, #tpu.memory_space<hbm>>
      %dma_start3A_229 = tpu.memref_slice %arg12[%dma_start3A_226] : memref<5x!tpu.dma_semaphore, #tpu.memory_space<semaphore_mem>> -> memref<1x!tpu.dma_semaphore, #tpu.memory_space<semaphore_mem>>
      %dma_start3A_230 = tpu.memref_squeeze %dma_start3A_229 : memref<1x!tpu.dma_semaphore, #tpu.memory_space<semaphore_mem>> -> memref<!tpu.dma_semaphore, #tpu.memory_space<semaphore_mem>>
      %dma_start3A_231 = arith.constant 0 : i32
      %dma_start3A_232 = tpu.memref_slice %arg4[%mul3A_225, %dma_start3A_231] : memref<327680x128xf32, #tpu.memory_space<hbm>> -> memref<128x128xf32, #tpu.memory_space<hbm>>
      tpu.enqueue_dma source(%arg10 : memref<128x128xf32, #tpu.memory_space<vmem>>) target(%dma_start3A_232 : memref<128x128xf32, #tpu.memory_space<hbm>>) target_semaphore(%dma_start3A_230 : memref<!tpu.dma_semaphore, #tpu.memory_space<semaphore_mem>>)
      %dma_wait3A_233 = arith.constant 4 : i32
      %dma_wait3A_234 = arith.constant 0 : i32
      %dma_wait3A_235 = arith.constant 0 : i32
      %dma_wait3A_236 = tpu.memref_slice %arg4[%dma_wait3A_234, %dma_wait3A_235] : memref<327680x128xf32, #tpu.memory_space<hbm>> -> memref<128x128xf32, #tpu.memory_space<hbm>>
      %dma_wait3A_237 = tpu.memref_slice %arg12[%dma_wait3A_233] : memref<5x!tpu.dma_semaphore, #tpu.memory_space<semaphore_mem>> -> memref<1x!tpu.dma_semaphore, #tpu.memory_space<semaphore_mem>>
      %dma_wait3A_238 = tpu.memref_squeeze %dma_wait3A_237 : memref<1x!tpu.dma_semaphore, #tpu.memory_space<semaphore_mem>> -> memref<!tpu.dma_semaphore, #tpu.memory_space<semaphore_mem>>
      %dma_wait3A_239 = arith.constant 0 : i32
      %dma_wait3A_240 = arith.constant 0 : i32
      %dma_wait3A_241 = tpu.memref_slice %arg4[%dma_wait3A_239, %dma_wait3A_240] : memref<327680x128xf32, #tpu.memory_space<hbm>> -> memref<128x128xf32, #tpu.memory_space<hbm>>
      tpu.wait_dma2 semaphore(%dma_wait3A_238 : memref<!tpu.dma_semaphore, #tpu.memory_space<semaphore_mem>>) src(%arg10 : memref<128x128xf32, #tpu.memory_space<vmem>>) dst(%dma_wait3A_241 : memref<128x128xf32, #tpu.memory_space<hbm>>)
      %add3A_242 = arith.constant 5 : i32
      %add3A_243 = arith.addi %add3A_213, %add3A_242 : i32
      %lt3A_244 = arith.constant 80 : i32
      %lt3A_245 = arith.cmpi slt, %add3A_243, %lt3A_244 : i32
      %convert_element_type3A_246 = arith.extui %lt3A_245 : i1 to i32
      %cond3A_247 = arith.constant 0 : i32
      %cond3A_248 = arith.cmpi ne, %convert_element_type3A_246, %cond3A_247 : i32
      scf.if %cond3A_248 {
        %add3A_249 = arith.constant 5 : i32
        %add3A_250 = arith.addi %add3A_213, %add3A_249 : i32
        %dma_start3A_251 = arith.constant 4 : i32
        %dma_start3A_252 = arith.constant 0 : i32
        %dma_start3A_253 = tpu.memref_slice %arg5[%add3A_250, %dma_start3A_252] : memref<80x128xi32, #tpu.memory_space<vmem>> -> memref<1x128xi32, #tpu.memory_space<vmem>>
        %dma_start3A_254 = tpu.memref_squeeze %dma_start3A_253 : memref<1x128xi32, #tpu.memory_space<vmem>> -> memref<128xi32, #tpu.memory_space<vmem>>
        %dma_start3A_255 = arith.constant 0 : i32
        %dma_start3A_256 = arith.constant 0 : i32
        %dma_start3A_257 = tpu.memref_slice %arg2[%dma_start3A_255, %dma_start3A_256] : memref<10000x128xf32, #tpu.memory_space<hbm>> -> memref<10000x128xf32, #tpu.memory_space<hbm>>
        %dma_start3A_258 = tpu.memref_slice %arg11[%dma_start3A_251] : memref<5x!tpu.dma_semaphore, #tpu.memory_space<semaphore_mem>> -> memref<1x!tpu.dma_semaphore, #tpu.memory_space<semaphore_mem>>
        %dma_start3A_259 = tpu.memref_squeeze %dma_start3A_258 : memref<1x!tpu.dma_semaphore, #tpu.memory_space<semaphore_mem>> -> memref<!tpu.dma_semaphore, #tpu.memory_space<semaphore_mem>>
        tpu.enqueue_indirect_dma source(%dma_start3A_257 : memref<10000x128xf32, #tpu.memory_space<hbm>>) target(%arg10 : memref<128x128xf32, #tpu.memory_space<vmem>>) offsets(%dma_start3A_254 : memref<128xi32, #tpu.memory_space<vmem>>) semaphore(%dma_start3A_259 : memref<!tpu.dma_semaphore, #tpu.memory_space<semaphore_mem>>)
      } else {
      }
    }
    %scan3A_56 = arith.constant 16 : i32
    return
  }
}

</mosaic_0001>

<sc_bundles>
// kernel: _sc_gather.3.cloned.1.call-start
scs
__scs_entry_jumppad:
0x0: {  	(pc) =	sbr.rel $0x88, $3  }
0x1: {  	(tag) =	ssettag $0x0;
	lr =	simm.s32 $0x1  }
0x2: {  	[smem:$0x3F9F] =	sst lr;
	_ =	strace $0xD0000000  }
0x3: {  	_ = 	snop  }
0x4: {  	_ = 	snop  }
0x5: {  	_ = 	snop  }
0x6: {  	_ = 	snop  }
0x7: {  	_ = 	snop  }
__scs_overlays_trampoline_lowered:
0x8: {  	[smem:$0x3FAE] =	sst s0  }
0x9: {  	[smem:$0x3FAF] =	sst s1  }
0xa: {  	[smem:$0x3FB0] =	sst s2  }
0xb: {  	[smem:$0x3FB1] =	sst s3  }
0xc: {  	[smem:$0x3FB2] =	sst s4  }
0xd: {  	[smem:$0x3FB3] =	sst s5  }
0xe: {  	[smem:$0x3FB4] =	sst s6  }
0xf: {  	[smem:$0x3FB5] =	sst s7  }
0x10: {  	[smem:$0x3FB6] =	sst s8  }
0x11: {  	[smem:$0x3FB7] =	sst s9;
	s0 =	simm.s32 @!p0 $0x0  }
0x12: {  	s1 =	sld [smem:$0x3F9D];
	s0 =	simm.s32 @p0 $0x1  }
0x13: {  	[smem:$0x3FB8] =	sst s0;
	s0 =	simm.s32 @!p1 $0x0  }
0x14: {  	s2 =	sld [smem:$0x3F9C];
	s0 =	simm.s32 @p1 $0x1  }
0x15: {  	[smem:$0x3FB9] =	sst s0;
	s0 =	simm.s32 @!p2 $0x0  }
0x16: {  	s3 =	sld [smem:$0x3FDB];
	s0 =	simm.s32 @p2 $0x1  }
0x17: {  	s4 =	simm.s32 $0x1BF5;
	[smem:$0x3FBB] =	sst s0  }
0x18: {  	s0 =	sld [smem:$0x3F9E];
	_ =	swait.ge [sflag:s4], $0x0  }
0x19: {  	s7 =	sld [smem:$0x3F9F]  }
0x1a: {  	s8 =	sadd.s32 $0xFFFFE003, lr  }
0x1b: {  	s9 =	sadd.s32 $0xFFFFFEF7, lr;
	s5 =	simm.s32 $0xFFFFFFFF;
	p2 =	slt.u32 s8, $0xFFFFF086  }
0x1c: {  	p1 =	slt.u32 s9, $0xF7A;
	s5 =	simm.s32 @!p2 $0x0  }
0x1d: {  	s5 =	simm.s32 @p1 $0x1;
	p0 =	seq.s32 s7, s2  }
0x1e: {  	s7 =	smul.u32 @!p0 $0xF7A, s2;
	p2 =	seq.s32 @!p0 s5, $0x0  }
0x1f: {  	s9 =	smul.u32 $0xF7A, s1;
	s8 =	simm.s32 @!p0 $0x1BF5;
	p2 =	por !p2, p0  }
0x20: {  	[sflag:s8] =	ssyncset.s32 @!p0 $0xFFFFF086;
	s6 =	sadd.s32 @!p0 s3, s7;
	s7 =	simm.s32 @!p0 $0x108  }
0x21: {  	s3 =	sadd.s32 s3, s9;
	s6 =	sadd.s32 @!p0 $0x88, s6;
	s7 =	simm.s32 @p2 $0x1082  }
0x22: {  	[simem:s7], [sflag:s8] =	dma.local @!p0 [hbm:s6], $0xF7A  }
0x23: {  	s9 =	sor.u32 $0xD0000000, s2;
	s6 =	simm.s32 $0x108;
	_ =	swait.ge @!p0 [sflag:s8], $0x0  }
0x24: {  	s3 =	sadd.s32 $0x88, s3;
	s6 =	simm.s32 @!p1 $0x1082;
	[sflag:s4] =	ssyncset.s32 $0xFFFFF086  }
0x25: {  	[simem:s6], [sflag:s4] =	dma.local [hbm:s3], $0xF7A  }
0x26: {  	[smem:$0x3F9F] =	sst s1;
	(tag) =	ssettag s2;
	_ =	strace s9  }
0x27: {  	s1 =	sld [smem:$0x3FAF]  }
0x28: {  	s2 =	sld [smem:$0x3FB0]  }
0x29: {  	s4 =	sld [smem:$0x3FB2]  }
0x2a: {  	p0 =	seq.s32 s5, $0x0;
	s5 =	sld [smem:$0x3FB3]  }
0x2b: {  	s6 =	sld [smem:$0x3FB4]  }
0x2c: {  	s7 =	sld [smem:$0x3FB5]  }
0x2d: {  	s3 =	simm.s32 $0x108;
	s8 =	sld [smem:$0x3FB6]  }
0x2e: {  	s3 =	simm.s32 @!p0 $0x1082;
	s9 =	sld [smem:$0x3FB7]  }
0x2f: {  	lr =	sadd.s32 s0, s3;
	s0 =	sld [smem:$0x3FAE]  }
0x30: {  	s3 =	sld [smem:$0x3FB1]  }
0x31: {  	[smem:$0x3FBA] =	sst s10  }
0x32: {  	s10 =	sld [smem:$0x3FB8];
	_ =	sdelay $0x3  }
0x33: {  	p0 =	seq.s32 s10, $0x1;
	s10 =	sld [smem:$0x3FBA];
	_ =	sdelay $0x3  }
0x34: {  	[smem:$0x3FBA] =	sst s10  }
0x35: {  	s10 =	sld [smem:$0x3FB9];
	_ =	sdelay $0x3  }
0x36: {  	p1 =	seq.s32 s10, $0x1;
	s10 =	sld [smem:$0x3FBA];
	_ =	sdelay $0x3  }
0x37: {  	[smem:$0x3FBA] =	sst s10  }
0x38: {  	s10 =	sld [smem:$0x3FBB]  }
0x39: {  	_ = 	snop;
	(pc) =	sbr.ind lr, $3  }
0x3a: {  	_ = 	snop  }
0x3b: {  	_ = 	snop  }
0x3c: {  	p2 =	seq.s32 s10, $0x1;
	s10 =	sld [smem:$0x3FBA]  }
0x3d: {  	_ =	shalt  }
0x3e: {  	_ =	shalt  }
0x3f: {  	_ =	shalt  }
0x40: {  	_ =	shalt  }
0x41: {  	_ =	shalt  }
0x42: {  	_ =	shalt  }
0x43: {  	_ =	shalt  }
0x44: {  	_ =	shalt  }
0x45: {  	_ =	shalt  }
0x46: {  	_ =	shalt  }
0x47: {  	_ =	shalt  }
0x48: {  	_ =	shalt  }
0x49: {  	_ =	shalt  }
0x4a: {  	_ =	shalt  }
0x4b: {  	_ =	shalt  }
0x4c: {  	_ =	shalt  }
0x4d: {  	_ =	shalt  }
0x4e: {  	_ =	shalt  }
0x4f: {  	_ =	shalt  }
0x50: {  	_ =	shalt  }
0x51: {  	_ =	shalt  }
0x52: {  	_ =	shalt  }
0x53: {  	_ =	shalt  }
0x54: {  	_ =	shalt  }
0x55: {  	_ =	shalt  }
0x56: {  	_ =	shalt  }
0x57: {  	_ =	shalt  }
0x58: {  	_ =	shalt  }
0x59: {  	_ =	shalt  }
0x5a: {  	_ =	shalt  }
0x5b: {  	_ =	shalt  }
0x5c: {  	_ =	shalt  }
0x5d: {  	_ =	shalt  }
0x5e: {  	_ =	shalt  }
0x5f: {  	_ =	shalt  }
0x60: {  	_ =	shalt  }
0x61: {  	_ =	shalt  }
0x62: {  	_ =	shalt  }
0x63: {  	_ =	shalt  }
0x64: {  	_ =	shalt  }
0x65: {  	_ =	shalt  }
0x66: {  	_ =	shalt  }
0x67: {  	_ =	shalt  }
0x68: {  	_ =	shalt  }
0x69: {  	_ =	shalt  }
0x6a: {  	_ =	shalt  }
0x6b: {  	_ =	shalt  }
0x6c: {  	_ =	shalt  }
0x6d: {  	_ =	shalt  }
0x6e: {  	_ =	shalt  }
0x6f: {  	_ =	shalt  }
0x70: {  	_ =	shalt  }
0x71: {  	_ =	shalt  }
0x72: {  	_ =	shalt  }
0x73: {  	_ =	shalt  }
0x74: {  	_ =	shalt  }
0x75: {  	_ =	shalt  }
0x76: {  	_ =	shalt  }
0x77: {  	_ =	shalt  }
0x78: {  	_ =	shalt  }
0x79: {  	_ =	shalt  }
0x7a: {  	_ =	shalt  }
0x7b: {  	_ =	shalt  }
0x7c: {  	_ =	shalt  }
0x7d: {  	_ =	shalt  }
0x7e: {  	_ =	shalt  }
0x7f: {  	_ =	shalt  }
0x80: {  	_ =	shalt  }
0x81: {  	_ =	shalt  }
0x82: {  	_ =	shalt  }
0x83: {  	_ =	shalt  }
0x84: {  	_ =	shalt  }
0x85: {  	_ =	shalt  }
0x86: {  	_ =	shalt  }
0x87: {  	_ =	shalt  }
.Lfunc_end0:
.L_simem_size_0:
called_computation_lowered:
.L_overlay_start_0:
0x88: {  	s2 =	sld [smem:$0x3FD9]  }
0x89: {  	s3 =	sld [smem:$0x3FFE];
	_ =	sdelay $0x1  }
0x8a: {  	s1 =	srdreg.scid  }
0x8b: {  	s0 =	sand.u32 $0x1, s1  }
0x8c: {  	s18 =	sshll.u32 s0, $0xA;
	s2 =	sadd.s32 s3, s2  }
0x8d: {  	s2 =	sadd.s32 s2, s18  }
0x8e: {  	[smem:$0x3FC6] =	sst s2  }
0x8f: {  	_ = 	snop  }
0x90: {  	s2 =	sld [smem:$0x3FC9]  }
0x91: {  	s19 =	sld [smem:$0x3FC8]  }
0x92: {  	s4 =	sld [smem:$0x3FD0];
	(tm) =	ssettm $0x1  }
0x93: {  	s5 =	sld [smem:$0x3FFB];
	_ =	sdelay $0x3  }
0x94: {  	_ =	strace s5  }
0x95: {  	s5 =	sld [smem:$0x3FFC];
	_ =	sdelay $0x3  }
0x96: {  	_ =	strace s5  }
0x97: {  	s5 =	sld [smem:$0x3FFD];
	_ =	sdelay $0x3  }
0x98: {  	_ =	strace s5  }
0x99: {  	_ =	strace $0x8FFFFFFF  }
0x9a: {  	s20 =	sld [smem:$0x3FDB];
	_ =	sdelay $0x1  }
0x9b: {  	s6 =	simm.s32 $_scs_section_size  }
0x9c: {  	s7 =	simm.s32 $_size__tile_overlayer_lowered;
	s8 =	simm.s32 $_tile_overlayer_lowered  }
0x9d: {  	s23 =	simm.s32 $0x1BFF;
	s22 =	sshll.u32 s8, $0x1;
	s5 =	sadd.s32 s6, s20  }
0x9e: {  	s9 =	simm.s32 $0x0;
	s21 =	sshll.u32 s7, $0x1;
	s7 =	sadd.s32 s22, s5  }
0x9f: {  	[timem:s9], [sflag:s23] =	dma.local [hbm:s7], s21  }
0xa0: {  	_ =	swait.ge [sflag:s23], s21  }
0xa1: {  	s6 =	ssub.s32 $0x0, s21;
	[sflag:s23] =	ssyncset.done $0x0  }
0xa2: {  	[sflag:s23] =	ssyncadd.s32 s6;
	_ =	sdelay $0x1  }
0xa3: {  	s24 =	simm.s32 $0x1B8B  }
0xa4: {  	_ =	swait.ge [sflag:s24], $0x1  }
0xa5: {  	[sflag:s24] =	ssyncset.done $0x0  }
0xa6: {  	s25 =	simm.s32 $0x1B8E;
	[sflag:s24] =	ssyncadd.s32 $0xFFFFFFFF  }
0xa7: {  	s26 =	simm.s32 $execute0_lowered;
	[smem:$0x3FD2] =	sst s25  }
0xa8: {  	s6 =	sshll.u32 s26, $0x1;
	_ =	strace $0x80000046;
	[dreg:$0x1] =	wrdreg $0xFFFFFFFF  }
0xa9: {  	s28 =	simm.s32 $_size_execute0_lowered;
	s5 =	sadd.s32 s5, s6;
	[dreg:$0x0] =	wrdreg $0x0  }
0xaa: {  	s6 =	sshll.u32 s28, $0x1;
	[dreg:$0x2] =	wrdreg s5  }
0xab: {  	[dreg:$0x3] =	wrdreg s6  }
0xac: {  	[dreg:$0x4] =	wrdreg $0xC0  }
0xad: {  	_ =	task [dreg:s9], $0x5FFFF  }
0xae: {  	[dreg:$0x1] =	wrdreg $0xFFFFFFFF  }
0xaf: {  	[dreg:$0x0] =	wrdreg $0x60  }
0xb0: {  	[dreg:$0x2] =	wrdreg s2  }
0xb1: {  	[dreg:$0x3] =	wrdreg s19  }
0xb2: {  	[dreg:$0x4] =	wrdreg s4  }
0xb3: {  	[dreg:$0x5] =	wrdreg $0x9  }
0xb4: {  	_ =	task.clear_ibuf [dreg:s9], $0x6FFFF;
	_ =	strace $0x90000046  }
0xb5: {  	s29 =	simm.s32 $0x9;
	_ =	strace $0x80000048  }
0xb6: {  	_ =	swait.ge [sflag:s29], $0x1  }
0xb7: {  	[sflag:s29] =	ssyncadd.s32 $0xFFFFFFFF  }
0xb8: {  	_ =	strace $0x90000048  }
0xb9: {  	_ =	sfence  }
0xba: {  	s30 =	sld [smem:$0x0];
	_ =	sdelay $0x2  }
0xbb: {  	s31 =	sshll.u32 s1, $0xD;
	s1 =	sshrl.u32 s1, $0x2  }
0xbc: {  	s3 =	sand.u32 $0x4000, s31;
	s1 =	sadd.s32 s1, s30  }
0xbd: {  	s0 =	sor.u32 s3, s0;
	s1 =	sshll.u32 s1, $0x11  }
0xbe: {  	s0 =	sor.u32 s1, s0  }
0xbf: {  	s0 =	sadd.s32 $0x8F2B, s0  }
0xc0: {  	[sflag:s0] =	ssyncadd.remote.s32 $0x1  }
0xc1: {  	_ =	sfence.sel $0xFFFF  }
0xc2: {  	[dreg:$0x0] =	wrdreg $0xFFFFFFFF;
	(pc) =	sbr.abs _section_cstart, $3  }
0xc3: {  	[dreg:$0x1] =	wrdreg $0xFFFFFFFF  }
0xc4: {  	_ =	task.clear_ibuf [dreg:s9], $0x2FFFF;
	_ =	strace $0x9FFFFFFF  }
0xc5: {  	(tm) =	ssettm $0x7FFFFFFF  }
tec
execute0_lowered:
.L_overlay_start_1:
0x0: {  	(tag) =	ssettag $0x1  }
0x1: {  	s1 =	srdreg.scid  }
0x2: {  	s0 =	stileid.u32;
	s2 =	rddreg [dreg:$0x0]  }
0x3: {  	s5 =	rddreg [dreg:$0x1];
	s4 =	simm.s32 $0x0;
	s12 =	simm.s32 $0x6800  }
0x4: {  	s14 =	simm.s32 $0xA800;
	s16 =	simm.s32 $0xE800;
	s18 =	simm.s32 $0x12800  }
0x5: {  	s19 =	simm.s32 $0x1;
	s20 =	simm.s32 $0x6;
	s21 =	simm.s32 $0x2  }
0x6: {  	s22 =	simm.s32 $0x7;
	s23 =	simm.s32 $0x3;
	s24 =	simm.s32 $0x8  }
0x7: {  	s25 =	simm.s32 $0x4;
	s26 =	simm.s32 $0x9;
	s7 =	smul.u32 $0xA0, s0  }
0x8: {  	s28 =	simm.s32 $0x5;
	s1 =	sand.u32 $0x1, s1;
	s10 =	smul.u32 $0x50000, s0  }
0x9: {  	s29 =	simm.s32 $0xA;
	s3 =	sshll.u32 s0, $0x1;
	s8 =	smul.u32 $0x50, s1  }
0xa: {  	s3 =	sor.u32 s1, s3;
	s9 =	ssub.s32 $0x2, s1;
	s1 =	smul.u32 $0x28000, s1  }
.Ltmp0:
0xb: {  	s30 =	simm.s32 $0x0;
	[smem:$0x7FF] =	sst s4;
	(pc) =	sbr.rel .LBB2_1-.Ltmp0, $4  }
0xc: {  	_ =	strace $0x80000047;
	s6 =	smul.u32 $0x500, s3;
	s11 =	sshrl.u32 s9, $0x1  }
0xd: {  	s9 =	ssub.s32 s9, s11;
	s7 =	sadd.s32 s8, s7;
	s8 =	sadd.s32 s1, s10  }
0xe: {  	s10 =	simm.s32 $0x80;
	s11 =	simm.s32 $0x2800;
	s5 =	sadd.s32 s5, s6  }
0xf: {  	s6 =	smax.u32 s9, $0x1;
	s7 =	sshll.u32 s7, $0xB;
	s9 =	simm.s32 $0xB  }
.LBB2_4:
0x10: {  	s30 =	sadd.s32 $0x1, s30  }
0x11: {  	p0 =	sne.s32 s30, s6  }
.Ltmp1:
0x12: {  	_ = 	snop;
	(pc) =	sbr.rel @!p0 .LBB2_5-.Ltmp1, $1  }
0x13: {  	_ =	sdelay $0x3  }
.LBB2_1:
0x14: {  	[tilespmem:s4], [sflag:$0xB] =	stream.linear.gather [hbm4b:s5+s4], $0x2800, $0x38;
	[tilespmem:$0x16800] =	vst v63  }
0x15: {  	_ =	swait.ge [sflag:s9], $0x2800  }
0x16: {  	[sflag:s9] =	ssyncset.done $0x0  }
0x17: {  	[sflag:s9] =	ssyncadd.s32 $0xFFFFD800  }
0x18: {  	[tilespmem:s11], [sflag:$0x1] =	stream.indirect.gather [hbm4b:s2+s10], $0x80, s4, s10, $0xb8;
	[tilespmem:$0x16800] =	vst v63  }
0x19: {  	_ = 	snop  }
0x1a: {  	[tilespmem:s12], [sflag:$0x2] =	stream.indirect.gather [hbm4b:s2+s10], $0x80, s10, s10, $0xb8;
	[tilespmem:$0x16800] =	vst v63  }
0x1b: {  	s0 =	simm.s32 $0x100  }
0x1c: {  	[tilespmem:s14], [sflag:$0x3] =	stream.indirect.gather [hbm4b:s2+s10], $0x80, s0, s10, $0xb8;
	[tilespmem:$0x16800] =	vst v63  }
0x1d: {  	s15 =	simm.s32 $0x180  }
0x1e: {  	[tilespmem:s16], [sflag:$0x4] =	stream.indirect.gather [hbm4b:s2+s10], $0x80, s15, s10, $0xb8;
	[tilespmem:$0x16800] =	vst v63  }
0x1f: {  	s17 =	simm.s32 $0x200;
	s1 =	simm.s32 $0x0;
	s31 =	rddreg [dreg:$0x2]  }
0x20: {  	[tilespmem:s18], [sflag:$0x5] =	stream.indirect.gather [hbm4b:s2+s10], $0x80, s17, s10, $0xb8;
	[tilespmem:$0x16800] =	vst v63  }
.LBB2_2:
0x21: {  	_ =	swait.ge [sflag:s19], $0x4000  }
0x22: {  	[sflag:s19] =	ssyncset.done $0x0  }
0x23: {  	s0 =	sadd.s32 s31, s8;
	[sflag:s19] =	ssyncadd.s32 $0xFFFFC000  }
0x24: {  	[hbm4b:s0+s4] =	stream.linear.scatter [tilespmem:s11], [sflag:$0x6], $0x4000, $0x38;
	[tilespmem:$0x16800] =	vst v63  }
0x25: {  	p0 =	seq.s32 s1, $0x9600;
	_ =	swait.ge [sflag:s20], $0x4000  }
0x26: {  	s13 =	simm.s32 @!p0 $0x80;
	s0 =	sshra.s32 @!p0 s1, $0x2;
	[sflag:s20] =	ssyncset.done $0x0  }
0x27: {  	s15 =	simm.s32 @!p0 $0x2800;
	s3 =	sadd.s32 @!p0 $0x280, s0;
	[sflag:s20] =	ssyncadd.s32 $0xFFFFC000  }
0x28: {  	[tilespmem:s15], [sflag:$0x1] =	stream.indirect.gather @!p0 [hbm4b:s2+s13], $0x80, s3, s13, $0xb8;
	[tilespmem:$0x16800] =	vst v63  }
0x29: {  	_ =	swait.ge [sflag:s21], $0x4000  }
0x2a: {  	s3 =	sadd.s32 s31, s7;
	[sflag:s21] =	ssyncset.done $0x0  }
0x2b: {  	s17 =	sadd.s32 $0x800, s3;
	[sflag:s21] =	ssyncadd.s32 $0xFFFFC000  }
0x2c: {  	[hbm4b:s17+s4] =	stream.linear.scatter [tilespmem:s12], [sflag:$0x7], $0x4000, $0x38;
	[tilespmem:$0x16800] =	vst v63  }
0x2d: {  	_ =	swait.ge [sflag:s22], $0x4000  }
0x2e: {  	[sflag:s22] =	ssyncset.done $0x0  }
0x2f: {  	s15 =	sadd.s32 @!p0 $0x300, s0;
	s17 =	simm.s32 @!p0 $0x6800;
	[sflag:s22] =	ssyncadd.s32 $0xFFFFC000  }
0x30: {  	[tilespmem:s17], [sflag:$0x2] =	stream.indirect.gather @!p0 [hbm4b:s2+s13], $0x80, s15, s13, $0xb8;
	[tilespmem:$0x16800] =	vst v63  }
0x31: {  	_ =	swait.ge [sflag:s23], $0x4000  }
0x32: {  	[sflag:s23] =	ssyncset.done $0x0  }
0x33: {  	s17 =	sadd.s32 $0x1000, s3;
	[sflag:s23] =	ssyncadd.s32 $0xFFFFC000  }
0x34: {  	[hbm4b:s17+s4] =	stream.linear.scatter [tilespmem:s14], [sflag:$0x8], $0x4000, $0x38;
	[tilespmem:$0x16800] =	vst v63  }
0x35: {  	_ =	swait.ge [sflag:s24], $0x4000  }
0x36: {  	[sflag:s24] =	ssyncset.done $0x0  }
0x37: {  	s15 =	sadd.s32 @!p0 $0x380, s0;
	s17 =	simm.s32 @!p0 $0xA800;
	[sflag:s24] =	ssyncadd.s32 $0xFFFFC000  }
0x38: {  	[tilespmem:s17], [sflag:$0x3] =	stream.indirect.gather @!p0 [hbm4b:s2+s13], $0x80, s15, s13, $0xb8;
	[tilespmem:$0x16800] =	vst v63  }
0x39: {  	_ =	swait.ge [sflag:s25], $0x4000  }
0x3a: {  	[sflag:s25] =	ssyncset.done $0x0  }
0x3b: {  	s17 =	sadd.s32 $0x1800, s3;
	[sflag:s25] =	ssyncadd.s32 $0xFFFFC000  }
0x3c: {  	[hbm4b:s17+s4] =	stream.linear.scatter [tilespmem:s16], [sflag:$0x9], $0x4000, $0x38;
	[tilespmem:$0x16800] =	vst v63  }
0x3d: {  	_ =	swait.ge [sflag:s26], $0x4000  }
0x3e: {  	[sflag:s26] =	ssyncset.done $0x0  }
0x3f: {  	s0 =	sadd.s32 @!p0 $0x400, s0;
	s15 =	simm.s32 @!p0 $0xE800;
	[sflag:s26] =	ssyncadd.s32 $0xFFFFC000  }
0x40: {  	[tilespmem:s15], [sflag:$0x4] =	stream.indirect.gather @!p0 [hbm4b:s2+s13], $0x80, s0, s13, $0xb8;
	[tilespmem:$0x16800] =	vst v63  }
0x41: {  	_ =	swait.ge [sflag:s28], $0x4000  }
0x42: {  	[sflag:s28] =	ssyncset.done $0x0  }
.Ltmp2:
0x43: {  	s17 =	sadd.s32 $0x2000, s3;
	[sflag:s28] =	ssyncadd.s32 $0xFFFFC000;
	(pc) =	sbr.rel @p0 .LBB2_4-.Ltmp2, $4  }
0x44: {  	[hbm4b:s17+s4] =	stream.linear.scatter [tilespmem:s18], [sflag:$0xA], $0x4000, $0x38;
	[tilespmem:$0x16800] =	vst v63  }
0x45: {  	_ =	swait.ge [sflag:s29], $0x4000  }
0x46: {  	[sflag:s29] =	ssyncset.done $0x0  }
0x47: {  	[sflag:s29] =	ssyncadd.s32 $0xFFFFC000  }
.Ltmp3:
0x48: {  	(pc) =	sbr.rel .LBB2_2-.Ltmp3, $4  }
0x49: {  	_ = 	snop  }
0x4a: {  	s0 =	sshra.s32 s1, $0x2  }
0x4b: {  	s1 =	sadd.s32 $0xA00, s1;
	s31 =	sadd.s32 $0x2800, s31;
	s0 =	sadd.s32 $0x480, s0  }
0x4c: {  	[tilespmem:s18], [sflag:$0x5] =	stream.indirect.gather [hbm4b:s2+s10], $0x80, s0, s10, $0xb8;
	[tilespmem:$0x16800] =	vst v63  }
.LBB2_5:
0x4d: {  	_ =	sfence.sel $0x180000  }
0x4e: {  	[bflag:$0x0] =	sbarrier.arrive $0xFFFF  }
0x4f: {  	_ =	strace $0x90000047  }
0x50: {  	s0 =	stileid.u32;
	[bflag:$0x2] =	sbarrier.arrive $0xFFFF  }
0x51: {  	p0 =	sne.s32 s0, $0x0;
	s0 =	rddreg [dreg:$0x3]  }
0x52: {  	s0 =	sadd.s32 @!p0 $0x100000, s0  }
0x53: {  	[sflag:s0] =	ssyncadd.tile.s32 @!p0 $0x1;
	_ =	shalt  }
.Lfunc_end2:
_tile_overlayer_lowered:
.L_overlay_start_2:
0x54: {  	(tag) =	ssettag $0x2  }
0x55: {  	s0 =	rddreg [dreg:$0x0];
	s2 =	stileid.u32  }
0x56: {  	s1 =	rddreg [dreg:$0x1];
	p0 =	sne.s32 s2, $0x0  }
0x57: {  	s3 =	rddreg [dreg:$0x2];
	[bflag:$0x3] =	sbarrier.arrive $0xFFFF;
	s2 =	simm.s32 @!p0 $0x1C0B  }
0x58: {  	[timem:s3], [sflag:s2] =	dma.local @!p0 [hbm:s0], s1  }
0x59: {  	s0 =	simm.s32 @!p0 $0xB  }
0x5a: {  	_ =	swait.ge @!p0 [sflag:s0], s1  }
0x5b: {  	s1 =	ssub.s32 @!p0 $0x0, s1;
	[sflag:s0] =	ssyncset.done @!p0 $0x0  }
0x5c: {  	[sflag:s0] =	ssyncadd.s32 @!p0 s1  }
0x5d: {  	[bflag:$0x3] =	sbarrier.arrive $0xFFFF  }
0x5e: {  	_ =	shalt  }

</sc_bundles>
